<compile_context>
chip_gen: v7x
topology: tpu7x:2x2x1
jax: 0.10.2.dev20260603
libtpu: 0.0.44.dev20260713+nightly
codegen_flags: <defaults>
</compile_context>

<pallas_src>
import functools

import jax
import jax.numpy as jnp
from jax import lax
from jax.experimental import pallas as pl
from jax.experimental.pallas import tpu as pltpu
from jax.experimental.pallas import tpu_sc as plsc

VOCAB = 100000
EMBED = 256
HIDDEN = 1024
FC1 = 128
OUT = 2
B = 1024
L = 20
LANE = 128
SPLIT = 6


@functools.cache
def _make_sc_gather(V, D, N):
    info = plsc.get_sparse_core_info()
    nw = info.num_cores * info.num_subcores
    n_per_w = N // nw
    assert N % (8 * nw) == 0
    ch = 8
    for c in range(8, 129, 8):
        if n_per_w % c == 0:
            ch = c
    n_ch = n_per_w // ch
    mesh = plsc.VectorSubcoreMesh(core_axis_name="c", subcore_axis_name="s")

    @functools.partial(
        pl.kernel,
        mesh=mesh,
        out_type=jax.ShapeDtypeStruct((N, D), jnp.float32),
        scratch_types=[
            pltpu.VMEM((2, ch), jnp.int32),
            pltpu.VMEM((2, ch, D), jnp.float32),
            pltpu.SemaphoreType.DMA,
            pltpu.SemaphoreType.DMA,
            pltpu.SemaphoreType.DMA,
        ],
    )
    def gather(table_hbm, idx_hbm, out_hbm, idx_v, rows_v, isem, gsem, osem):
        wid = lax.axis_index("s") * info.num_cores + lax.axis_index("c")
        base = wid * n_per_w
        out_cp = [None] * n_ch
        pltpu.sync_copy(idx_hbm.at[pl.ds(base, ch)], idx_v.at[0])
        for c in range(n_ch):
            s = c % 2
            if c + 1 < n_ch:
                icp = pltpu.async_copy(
                    idx_hbm.at[pl.ds(base + (c + 1) * ch, ch)],
                    idx_v.at[1 - s], isem)
            if c >= 2:
                out_cp[c - 2].wait()
            pltpu.async_copy(table_hbm.at[idx_v.at[s]], rows_v.at[s],
                             gsem).wait()
            out_cp[c] = pltpu.async_copy(
                rows_v.at[s], out_hbm.at[pl.ds(base + c * ch, ch)], osem)
            if c + 1 < n_ch:
                icp.wait()
        for c in range(max(n_ch - 2, 0), n_ch):
            out_cp[c].wait()

    return gather


_NT = (((1,), (1,)), ((), ()))


SPI1 = 2
SPI2 = 2


def _step(emb_blk, h_prev, wih_ref, whh_ref, bias_ref):
    acc = lax.dot_general(emb_blk.astype(jnp.bfloat16), wih_ref[...],
                          _NT, preferred_element_type=jnp.float32)
    acc = acc + lax.dot_general(h_prev, whh_ref[...], _NT,
                                preferred_element_type=jnp.float32)
    return jnp.tanh(acc + bias_ref[...])


def _rnn_seg1_body(emb_ref, wih_ref, whh_ref, bias_ref, out_ref, h_ref):
    t = pl.program_id(0)
    h = jnp.where(t > 0, h_ref[...], jnp.zeros((B, HIDDEN), jnp.bfloat16))
    for s in range(SPI1):
        h = _step(emb_ref[pl.ds(s * B, B), :], h, wih_ref, whh_ref,
                  bias_ref).astype(jnp.bfloat16)
    h_ref[...] = h

    @pl.when(t == SPLIT // SPI1 - 1)
    def _():
        out_ref[...] = h


def _rnn_seg2_body(emb_ref, h0_ref, wih_ref, whh_ref, bias_ref, fc1w_ref,
                   fc1b_ref, fc2w_ref, fc2b_ref, out_ref, h_ref):
    t = pl.program_id(0)
    T = (L - SPLIT) // SPI2
    h = jnp.where(t > 0, h_ref[...], h0_ref[...])
    for s in range(SPI2):
        h_new = _step(emb_ref[pl.ds(s * B, B), :], h, wih_ref, whh_ref,
                      bias_ref)
        h = h_new.astype(jnp.bfloat16)
    h_ref[...] = h

    @pl.when(t == T - 1)
    def _():
        feat = lax.dot_general(h_new, fc1w_ref[...], _NT,
                               preferred_element_type=jnp.float32)
        feat = jnp.maximum(feat + fc1b_ref[...], 0.0)
        logits = lax.dot_general(feat, fc2w_ref[...], _NT,
                                 preferred_element_type=jnp.float32)
        logits = logits + fc2b_ref[...]
        m = jnp.max(logits, axis=1, keepdims=True)
        e = jnp.exp(logits - m)
        p = e / jnp.sum(e, axis=1, keepdims=True)
        out_ref[...] = p[:, :OUT]


_FULL = lambda t: (0, 0)


def _rnn_seg1(emb1, wih, whh, bias):
    return pl.pallas_call(
        _rnn_seg1_body,
        grid=(SPLIT // SPI1,),
        in_specs=[
            pl.BlockSpec((SPI1 * B, EMBED), lambda t: (t, 0)),
            pl.BlockSpec((HIDDEN, EMBED), _FULL),
            pl.BlockSpec((HIDDEN, HIDDEN), _FULL),
            pl.BlockSpec((1, HIDDEN), _FULL),
        ],
        out_specs=pl.BlockSpec((B, HIDDEN), _FULL),
        out_shape=jax.ShapeDtypeStruct((B, HIDDEN), jnp.bfloat16),
        scratch_shapes=[pltpu.VMEM((B, HIDDEN), jnp.bfloat16)],
        compiler_params=pltpu.CompilerParams(
            dimension_semantics=("arbitrary",)),
    )(emb1, wih, whh, bias)


def _rnn_seg2(emb2, h0, wih, whh, bias, fc1w_t, fc1b, fc2w_pad, fc2b_pad):
    return pl.pallas_call(
        _rnn_seg2_body,
        grid=((L - SPLIT) // SPI2,),
        in_specs=[
            pl.BlockSpec((SPI2 * B, EMBED), lambda t: (t, 0)),
            pl.BlockSpec((B, HIDDEN), _FULL),
            pl.BlockSpec((HIDDEN, EMBED), _FULL),
            pl.BlockSpec((HIDDEN, HIDDEN), _FULL),
            pl.BlockSpec((1, HIDDEN), _FULL),
            pl.BlockSpec((FC1, HIDDEN), _FULL),
            pl.BlockSpec((1, FC1), _FULL),
            pl.BlockSpec((LANE, FC1), _FULL),
            pl.BlockSpec((1, LANE), _FULL),
        ],
        out_specs=pl.BlockSpec((B, OUT), _FULL),
        out_shape=jax.ShapeDtypeStruct((B, OUT), jnp.float32),
        scratch_shapes=[pltpu.VMEM((B, HIDDEN), jnp.bfloat16)],
        compiler_params=pltpu.CompilerParams(
            dimension_semantics=("arbitrary",)),
    )(emb2, h0, wih, whh, bias, fc1w_t, fc1b, fc2w_pad, fc2b_pad)


def kernel(x, embed_table, W_ih, b_ih, W_hh, b_hh, fc1_W, fc1_b, fc2_W, fc2_b):
    idx = jnp.swapaxes(x, 0, 1).reshape(-1).astype(jnp.int32)
    idx1 = idx[: SPLIT * B]
    idx2 = idx[SPLIT * B:]
    emb1 = _make_sc_gather(VOCAB, EMBED, SPLIT * B)(embed_table, idx1)
    emb2 = _make_sc_gather(VOCAB, EMBED, (L - SPLIT) * B)(embed_table, idx2)

    wih = W_ih.astype(jnp.bfloat16)
    whh = W_hh.astype(jnp.bfloat16)
    bias = (b_ih + b_hh).reshape(1, HIDDEN)
    fc2w_pad = jnp.pad(fc2_W, ((0, LANE - OUT), (0, 0)))
    fc2b_pad = jnp.pad(fc2_b, (0, LANE - OUT),
                       constant_values=-1e30).reshape(1, LANE)

    h_mid = _rnn_seg1(emb1, wih, whh, bias)
    return _rnn_seg2(emb2, h_mid, wih, whh, bias, fc1_W,
                     fc1_b.reshape(1, FC1), fc2w_pad, fc2b_pad)

# --- scband reference (transcript-rebuilt; emitter-appended) ---
"""Pipeline reference for scband-sentiment-analysis-rnn-8297876816183 (READ-ONLY COPY).

The authoritative reference and input builder live on the scoring server;
editing this copy changes nothing except your own understanding.
"""

import jax, jax.numpy as jnp
import numpy as np

VOCAB = 100000
EMBED = 256
HIDDEN = 1024
FC1 = 128
OUT = 2
B = 1024
L = 20


def setup_inputs(seed: int = 0) -> dict:
    key = jax.random.key(seed)
    ks = jax.random.split(key, 10)
    x = jax.random.randint(ks[0], (B, L), 0, VOCAB, dtype=jnp.int64 if jax.config.jax_enable_x64 else jnp.int32)
    embed_table = jax.random.normal(ks[1], (VOCAB, EMBED), dtype=jnp.float32) * 0.02
    W_ih = jax.random.normal(ks[2], (HIDDEN, EMBED), dtype=jnp.float32) * (1.0 / np.sqrt(EMBED))
    b_ih = jnp.zeros((HIDDEN,), dtype=jnp.float32)
    W_hh = jax.random.normal(ks[3], (HIDDEN, HIDDEN), dtype=jnp.float32) * (1.0 / np.sqrt(HIDDEN))
    b_hh = jnp.zeros((HIDDEN,), dtype=jnp.float32)
    fc1_W = jax.random.normal(ks[4], (FC1, HIDDEN), dtype=jnp.float32) * (1.0 / np.sqrt(HIDDEN))
    fc1_b = jnp.zeros((FC1,), dtype=jnp.float32)
    fc2_W = jax.random.normal(ks[5], (OUT, FC1), dtype=jnp.float32) * (1.0 / np.sqrt(FC1))
    fc2_b = jnp.zeros((OUT,), dtype=jnp.float32)
    return {"x": x, "embed_table": embed_table, "W_ih": W_ih, "b_ih": b_ih, "W_hh": W_hh, "b_hh": b_hh, "fc1_W": fc1_W, "fc1_b": fc1_b, "fc2_W": fc2_W, "fc2_b": fc2_b}


def reference(x, embed_table, W_ih, b_ih, W_hh, b_hh, fc1_W, fc1_b, fc2_W, fc2_b):
    # embedding lookup (SparseCore gather)
    emb = jnp.take(embed_table, x, axis=0)  # [B, L, E]
    # vanilla tanh RNN, batch_first; h_t = tanh(x_t W_ih^T + b_ih + h_{t-1} W_hh^T + b_hh)
    h0 = jnp.zeros((x.shape[0], W_hh.shape[0]), dtype=emb.dtype)

    def step(h, x_t):
        h_new = jnp.tanh(x_t @ W_ih.T + b_ih + h @ W_hh.T + b_hh).astype(h.dtype)
        return h_new, None

    h_final, _ = jax.lax.scan(step, h0, jnp.swapaxes(emb, 0, 1))  # scan over time
    feature = jax.nn.relu(h_final @ fc1_W.T + fc1_b)
    output = feature @ fc2_W.T + fc2_b
    return jax.nn.softmax(output, axis=1)

if __name__ == "__main__":
    import jax
    _d = setup_inputs()
    print(jax.jit(kernel)(*tuple(_d.values())))

</pallas_src>

<mosaic_0001>
#map = affine_map<(d0, d1) -> (0, 0)>
#map1 = affine_map<(d0, d1) -> (0)>
module attributes {stable_mosaic.version = 14 : i64} {
  func.func @gather(%arg0: i32, %arg1: i32, %arg2: memref<100000x256xf32, #tpu.memory_space<hbm>>, %arg3: memref<14336xi32, #tpu.memory_space<hbm>>, %arg4: memref<14336x256xf32, #tpu.memory_space<hbm>>, %arg5: memref<2x112xi32, #tpu.memory_space<vmem>>, %arg6: memref<2x112x256xf32, #tpu.memory_space<vmem>>, %arg7: memref<!tpu.dma_semaphore, #tpu.memory_space<semaphore_mem>>, %arg8: memref<!tpu.dma_semaphore, #tpu.memory_space<semaphore_mem>>, %arg9: memref<!tpu.dma_semaphore, #tpu.memory_space<semaphore_mem>>) attributes {dimension_semantics = [#tpu.dimension_semantics<core_parallel>, #tpu.dimension_semantics<subcore_parallel>], iteration_bounds = array<i64: 2, 16>, scalar_prefetch = 0 : i64, scratch_operands = 5 : i64, tpu.core_type = #tpu.core_type<sc_vector_subcore>, window_params = [{transform_indices = #map}, {transform_indices = #map1}, {transform_indices = #map}]} {
    %mul3A = arith.constant 2 : i32
    %mul3A_0 = arith.muli %arg1, %mul3A : i32
    %add3A = arith.addi %mul3A_0, %arg0 : i32
    %mul3A_1 = arith.constant 448 : i32
    %mul3A_2 = arith.muli %add3A, %mul3A_1 : i32
    %run_scoped3A = arith.constant 0 : i32
    "tpu.region"() ({
      %run_scoped3A_269 = tpu.sem_alloc : memref<!tpu.dma_semaphore, #tpu.memory_space<semaphore_mem>>
      %dma_start3A_270 = arith.constant 0 : i32
      %dma_start3A_271 = tpu.memref_slice %arg5[%run_scoped3A, %dma_start3A_270] : memref<2x112xi32, #tpu.memory_space<vmem>> -> memref<1x112xi32, #tpu.memory_space<vmem>>
      %dma_start3A_272 = tpu.memref_squeeze %dma_start3A_271 : memref<1x112xi32, #tpu.memory_space<vmem>> -> memref<112xi32, #tpu.memory_space<vmem>>
      %dma_start3A_273 = tpu.memref_slice %arg3[%mul3A_2] : memref<14336xi32, #tpu.memory_space<hbm>> -> memref<112xi32, #tpu.memory_space<hbm>>
      %dma_start3A_274 = arith.constant 0 : i32
      %dma_start3A_275 = tpu.memref_slice %arg5[%run_scoped3A, %dma_start3A_274] : memref<2x112xi32, #tpu.memory_space<vmem>> -> memref<1x112xi32, #tpu.memory_space<vmem>>
      %dma_start3A_276 = tpu.memref_squeeze %dma_start3A_275 : memref<1x112xi32, #tpu.memory_space<vmem>> -> memref<112xi32, #tpu.memory_space<vmem>>
      %dma_start3A_277 = tpu.memref_slice %arg3[%mul3A_2] : memref<14336xi32, #tpu.memory_space<hbm>> -> memref<112xi32, #tpu.memory_space<hbm>>
      tpu.enqueue_dma source(%dma_start3A_277 : memref<112xi32, #tpu.memory_space<hbm>>) target(%dma_start3A_276 : memref<112xi32, #tpu.memory_space<vmem>>) target_semaphore(%run_scoped3A_269 : memref<!tpu.dma_semaphore, #tpu.memory_space<semaphore_mem>>)
      %dma_wait3A_278 = arith.constant 0 : i32
      %dma_wait3A_279 = tpu.memref_slice %arg5[%run_scoped3A, %dma_wait3A_278] : memref<2x112xi32, #tpu.memory_space<vmem>> -> memref<1x112xi32, #tpu.memory_space<vmem>>
      %dma_wait3A_280 = tpu.memref_squeeze %dma_wait3A_279 : memref<1x112xi32, #tpu.memory_space<vmem>> -> memref<112xi32, #tpu.memory_space<vmem>>
      %dma_wait3A_281 = tpu.memref_slice %arg3[%mul3A_2] : memref<14336xi32, #tpu.memory_space<hbm>> -> memref<112xi32, #tpu.memory_space<hbm>>
      %dma_wait3A_282 = arith.constant 0 : i32
      %dma_wait3A_283 = tpu.memref_slice %arg5[%run_scoped3A, %dma_wait3A_282] : memref<2x112xi32, #tpu.memory_space<vmem>> -> memref<1x112xi32, #tpu.memory_space<vmem>>
      %dma_wait3A_284 = tpu.memref_squeeze %dma_wait3A_283 : memref<1x112xi32, #tpu.memory_space<vmem>> -> memref<112xi32, #tpu.memory_space<vmem>>
      %dma_wait3A_285 = tpu.memref_slice %arg3[%mul3A_2] : memref<14336xi32, #tpu.memory_space<hbm>> -> memref<112xi32, #tpu.memory_space<hbm>>
      tpu.wait_dma2 semaphore(%run_scoped3A_269 : memref<!tpu.dma_semaphore, #tpu.memory_space<semaphore_mem>>) src(%dma_wait3A_285 : memref<112xi32, #tpu.memory_space<hbm>>) dst(%dma_wait3A_284 : memref<112xi32, #tpu.memory_space<vmem>>)
      tpu.yield
    }) : () -> ()
    %add3A_3 = arith.constant 112 : i32
    %add3A_4 = arith.addi %mul3A_2, %add3A_3 : i32
    %dma_start3A = arith.constant 1 : i32
    %dma_start3A_5 = arith.constant 0 : i32
    %dma_start3A_6 = tpu.memref_slice %arg5[%dma_start3A, %dma_start3A_5] : memref<2x112xi32, #tpu.memory_space<vmem>> -> memref<1x112xi32, #tpu.memory_space<vmem>>
    %dma_start3A_7 = tpu.memref_squeeze %dma_start3A_6 : memref<1x112xi32, #tpu.memory_space<vmem>> -> memref<112xi32, #tpu.memory_space<vmem>>
    %dma_start3A_8 = tpu.memref_slice %arg3[%add3A_4] : memref<14336xi32, #tpu.memory_space<hbm>> -> memref<112xi32, #tpu.memory_space<hbm>>
    %dma_start3A_9 = arith.constant 0 : i32
    %dma_start3A_10 = tpu.memref_slice %arg5[%dma_start3A, %dma_start3A_9] : memref<2x112xi32, #tpu.memory_space<vmem>> -> memref<1x112xi32, #tpu.memory_space<vmem>>
    %dma_start3A_11 = tpu.memref_squeeze %dma_start3A_10 : memref<1x112xi32, #tpu.memory_space<vmem>> -> memref<112xi32, #tpu.memory_space<vmem>>
    %dma_start3A_12 = tpu.memref_slice %arg3[%add3A_4] : memref<14336xi32, #tpu.memory_space<hbm>> -> memref<112xi32, #tpu.memory_space<hbm>>
    tpu.enqueue_dma source(%dma_start3A_12 : memref<112xi32, #tpu.memory_space<hbm>>) target(%dma_start3A_11 : memref<112xi32, #tpu.memory_space<vmem>>) target_semaphore(%arg7 : memref<!tpu.dma_semaphore, #tpu.memory_space<semaphore_mem>>)
    %dma_start3A_13 = arith.constant 0 : i32
    %dma_start3A_14 = arith.constant 0 : i32
    %dma_start3A_15 = arith.constant 0 : i32
    %dma_start3A_16 = arith.constant 0 : i32
    %dma_start3A_17 = tpu.memref_slice %arg6[%dma_start3A_14, %dma_start3A_15, %dma_start3A_16] : memref<2x112x256xf32, #tpu.memory_space<vmem>> -> memref<1x112x256xf32, #tpu.memory_space<vmem>>
    %dma_start3A_18 = tpu.memref_squeeze %dma_start3A_17 : memref<1x112x256xf32, #tpu.memory_space<vmem>> -> memref<112x256xf32, #tpu.memory_space<vmem>>
    %dma_start3A_19 = arith.constant 0 : i32
    %dma_start3A_20 = tpu.memref_slice %arg5[%dma_start3A_13, %dma_start3A_19] : memref<2x112xi32, #tpu.memory_space<vmem>> -> memref<1x112xi32, #tpu.memory_space<vmem>>
    %dma_start3A_21 = tpu.memref_squeeze %dma_start3A_20 : memref<1x112xi32, #tpu.memory_space<vmem>> -> memref<112xi32, #tpu.memory_space<vmem>>
    %dma_start3A_22 = arith.constant 0 : i32
    %dma_start3A_23 = arith.constant 0 : i32
    %dma_start3A_24 = tpu.memref_slice %arg2[%dma_start3A_22, %dma_start3A_23] : memref<100000x256xf32, #tpu.memory_space<hbm>> -> memref<100000x256xf32, #tpu.memory_space<hbm>>
    tpu.enqueue_indirect_dma source(%dma_start3A_24 : memref<100000x256xf32, #tpu.memory_space<hbm>>) target(%dma_start3A_18 : memref<112x256xf32, #tpu.memory_space<vmem>>) offsets(%dma_start3A_21 : memref<112xi32, #tpu.memory_space<vmem>>) semaphore(%arg8 : memref<!tpu.dma_semaphore, #tpu.memory_space<semaphore_mem>>)
    %dma_wait3A = arith.constant 0 : i32
    %dma_wait3A_25 = arith.constant 0 : i32
    %dma_wait3A_26 = arith.constant 0 : i32
    %dma_wait3A_27 = arith.constant 0 : i32
    %dma_wait3A_28 = tpu.memref_slice %arg6[%dma_wait3A_25, %dma_wait3A_26, %dma_wait3A_27] : memref<2x112x256xf32, #tpu.memory_space<vmem>> -> memref<1x112x256xf32, #tpu.memory_space<vmem>>
    %dma_wait3A_29 = tpu.memref_squeeze %dma_wait3A_28 : memref<1x112x256xf32, #tpu.memory_space<vmem>> -> memref<112x256xf32, #tpu.memory_space<vmem>>
    %dma_wait3A_30 = arith.constant 0 : i32
    %dma_wait3A_31 = tpu.memref_slice %arg5[%dma_wait3A, %dma_wait3A_30] : memref<2x112xi32, #tpu.memory_space<vmem>> -> memref<1x112xi32, #tpu.memory_space<vmem>>
    %dma_wait3A_32 = tpu.memref_squeeze %dma_wait3A_31 : memref<1x112xi32, #tpu.memory_space<vmem>> -> memref<112xi32, #tpu.memory_space<vmem>>
    %dma_wait3A_33 = arith.constant 0 : i32
    %dma_wait3A_34 = arith.constant 0 : i32
    %dma_wait3A_35 = tpu.memref_slice %arg2[%dma_wait3A_33, %dma_wait3A_34] : memref<100000x256xf32, #tpu.memory_space<hbm>> -> memref<100000x256xf32, #tpu.memory_space<hbm>>
    tpu.wait_indirect_dma semaphore(%arg8 : memref<!tpu.dma_semaphore, #tpu.memory_space<semaphore_mem>>) src(%dma_wait3A_35 : memref<100000x256xf32, #tpu.memory_space<hbm>>) dst(%dma_wait3A_29 : memref<112x256xf32, #tpu.memory_space<vmem>>)
    %add3A_36 = arith.constant 0 : i32
    %add3A_37 = arith.addi %mul3A_2, %add3A_36 : i32
    %dma_start3A_38 = arith.constant 0 : i32
    %dma_start3A_39 = arith.constant 0 : i32
    %dma_start3A_40 = arith.constant 0 : i32
    %dma_start3A_41 = tpu.memref_slice %arg6[%dma_start3A_38, %dma_start3A_39, %dma_start3A_40] : memref<2x112x256xf32, #tpu.memory_space<vmem>> -> memref<1x112x256xf32, #tpu.memory_space<vmem>>
    %dma_start3A_42 = tpu.memref_squeeze %dma_start3A_41 : memref<1x112x256xf32, #tpu.memory_space<vmem>> -> memref<112x256xf32, #tpu.memory_space<vmem>>
    %dma_start3A_43 = arith.constant 0 : i32
    %dma_start3A_44 = tpu.memref_slice %arg4[%add3A_37, %dma_start3A_43] : memref<14336x256xf32, #tpu.memory_space<hbm>> -> memref<112x256xf32, #tpu.memory_space<hbm>>
    %dma_start3A_45 = arith.constant 0 : i32
    %dma_start3A_46 = tpu.memref_slice %arg4[%add3A_37, %dma_start3A_45] : memref<14336x256xf32, #tpu.memory_space<hbm>> -> memref<112x256xf32, #tpu.memory_space<hbm>>
    %dma_start3A_47 = arith.constant 0 : i32
    %dma_start3A_48 = arith.constant 0 : i32
    %dma_start3A_49 = tpu.memref_slice %arg6[%dma_start3A_38, %dma_start3A_47, %dma_start3A_48] : memref<2x112x256xf32, #tpu.memory_space<vmem>> -> memref<1x112x256xf32, #tpu.memory_space<vmem>>
    %dma_start3A_50 = tpu.memref_squeeze %dma_start3A_49 : memref<1x112x256xf32, #tpu.memory_space<vmem>> -> memref<112x256xf32, #tpu.memory_space<vmem>>
    tpu.enqueue_dma source(%dma_start3A_50 : memref<112x256xf32, #tpu.memory_space<vmem>>) target(%dma_start3A_46 : memref<112x256xf32, #tpu.memory_space<hbm>>) target_semaphore(%arg9 : memref<!tpu.dma_semaphore, #tpu.memory_space<semaphore_mem>>)
    %dma_wait3A_51 = arith.constant 1 : i32
    %dma_wait3A_52 = arith.constant 0 : i32
    %dma_wait3A_53 = tpu.memref_slice %arg5[%dma_wait3A_51, %dma_wait3A_52] : memref<2x112xi32, #tpu.memory_space<vmem>> -> memref<1x112xi32, #tpu.memory_space<vmem>>
    %dma_wait3A_54 = tpu.memref_squeeze %dma_wait3A_53 : memref<1x112xi32, #tpu.memory_space<vmem>> -> memref<112xi32, #tpu.memory_space<vmem>>
    %dma_wait3A_55 = tpu.memref_slice %arg3[%add3A_4] : memref<14336xi32, #tpu.memory_space<hbm>> -> memref<112xi32, #tpu.memory_space<hbm>>
    %dma_wait3A_56 = arith.constant 0 : i32
    %dma_wait3A_57 = tpu.memref_slice %arg5[%dma_wait3A_51, %dma_wait3A_56] : memref<2x112xi32, #tpu.memory_space<vmem>> -> memref<1x112xi32, #tpu.memory_space<vmem>>
    %dma_wait3A_58 = tpu.memref_squeeze %dma_wait3A_57 : memref<1x112xi32, #tpu.memory_space<vmem>> -> memref<112xi32, #tpu.memory_space<vmem>>
    %dma_wait3A_59 = tpu.memref_slice %arg3[%add3A_4] : memref<14336xi32, #tpu.memory_space<hbm>> -> memref<112xi32, #tpu.memory_space<hbm>>
    tpu.wait_dma2 semaphore(%arg7 : memref<!tpu.dma_semaphore, #tpu.memory_space<semaphore_mem>>) src(%dma_wait3A_59 : memref<112xi32, #tpu.memory_space<hbm>>) dst(%dma_wait3A_58 : memref<112xi32, #tpu.memory_space<vmem>>)
    %add3A_60 = arith.constant 224 : i32
    %add3A_61 = arith.addi %mul3A_2, %add3A_60 : i32
    %dma_start3A_62 = arith.constant 0 : i32
    %dma_start3A_63 = arith.constant 0 : i32
    %dma_start3A_64 = tpu.memref_slice %arg5[%dma_start3A_62, %dma_start3A_63] : memref<2x112xi32, #tpu.memory_space<vmem>> -> memref<1x112xi32, #tpu.memory_space<vmem>>
    %dma_start3A_65 = tpu.memref_squeeze %dma_start3A_64 : memref<1x112xi32, #tpu.memory_space<vmem>> -> memref<112xi32, #tpu.memory_space<vmem>>
    %dma_start3A_66 = tpu.memref_slice %arg3[%add3A_61] : memref<14336xi32, #tpu.memory_space<hbm>> -> memref<112xi32, #tpu.memory_space<hbm>>
    %dma_start3A_67 = arith.constant 0 : i32
    %dma_start3A_68 = tpu.memref_slice %arg5[%dma_start3A_62, %dma_start3A_67] : memref<2x112xi32, #tpu.memory_space<vmem>> -> memref<1x112xi32, #tpu.memory_space<vmem>>
    %dma_start3A_69 = tpu.memref_squeeze %dma_start3A_68 : memref<1x112xi32, #tpu.memory_space<vmem>> -> memref<112xi32, #tpu.memory_space<vmem>>
    %dma_start3A_70 = tpu.memref_slice %arg3[%add3A_61] : memref<14336xi32, #tpu.memory_space<hbm>> -> memref<112xi32, #tpu.memory_space<hbm>>
    tpu.enqueue_dma source(%dma_start3A_70 : memref<112xi32, #tpu.memory_space<hbm>>) target(%dma_start3A_69 : memref<112xi32, #tpu.memory_space<vmem>>) target_semaphore(%arg7 : memref<!tpu.dma_semaphore, #tpu.memory_space<semaphore_mem>>)
    %dma_start3A_71 = arith.constant 1 : i32
    %dma_start3A_72 = arith.constant 1 : i32
    %dma_start3A_73 = arith.constant 0 : i32
    %dma_start3A_74 = arith.constant 0 : i32
    %dma_start3A_75 = tpu.memref_slice %arg6[%dma_start3A_72, %dma_start3A_73, %dma_start3A_74] : memref<2x112x256xf32, #tpu.memory_space<vmem>> -> memref<1x112x256xf32, #tpu.memory_space<vmem>>
    %dma_start3A_76 = tpu.memref_squeeze %dma_start3A_75 : memref<1x112x256xf32, #tpu.memory_space<vmem>> -> memref<112x256xf32, #tpu.memory_space<vmem>>
    %dma_start3A_77 = arith.constant 0 : i32
    %dma_start3A_78 = tpu.memref_slice %arg5[%dma_start3A_71, %dma_start3A_77] : memref<2x112xi32, #tpu.memory_space<vmem>> -> memref<1x112xi32, #tpu.memory_space<vmem>>
    %dma_start3A_79 = tpu.memref_squeeze %dma_start3A_78 : memref<1x112xi32, #tpu.memory_space<vmem>> -> memref<112xi32, #tpu.memory_space<vmem>>
    %dma_start3A_80 = arith.constant 0 : i32
    %dma_start3A_81 = arith.constant 0 : i32
    %dma_start3A_82 = tpu.memref_slice %arg2[%dma_start3A_80, %dma_start3A_81] : memref<100000x256xf32, #tpu.memory_space<hbm>> -> memref<100000x256xf32, #tpu.memory_space<hbm>>
    tpu.enqueue_indirect_dma source(%dma_start3A_82 : memref<100000x256xf32, #tpu.memory_space<hbm>>) target(%dma_start3A_76 : memref<112x256xf32, #tpu.memory_space<vmem>>) offsets(%dma_start3A_79 : memref<112xi32, #tpu.memory_space<vmem>>) semaphore(%arg8 : memref<!tpu.dma_semaphore, #tpu.memory_space<semaphore_mem>>)
    %dma_wait3A_83 = arith.constant 1 : i32
    %dma_wait3A_84 = arith.constant 1 : i32
    %dma_wait3A_85 = arith.constant 0 : i32
    %dma_wait3A_86 = arith.constant 0 : i32
    %dma_wait3A_87 = tpu.memref_slice %arg6[%dma_wait3A_84, %dma_wait3A_85, %dma_wait3A_86] : memref<2x112x256xf32, #tpu.memory_space<vmem>> -> memref<1x112x256xf32, #tpu.memory_space<vmem>>
    %dma_wait3A_88 = tpu.memref_squeeze %dma_wait3A_87 : memref<1x112x256xf32, #tpu.memory_space<vmem>> -> memref<112x256xf32, #tpu.memory_space<vmem>>
    %dma_wait3A_89 = arith.constant 0 : i32
    %dma_wait3A_90 = tpu.memref_slice %arg5[%dma_wait3A_83, %dma_wait3A_89] : memref<2x112xi32, #tpu.memory_space<vmem>> -> memref<1x112xi32, #tpu.memory_space<vmem>>
    %dma_wait3A_91 = tpu.memref_squeeze %dma_wait3A_90 : memref<1x112xi32, #tpu.memory_space<vmem>> -> memref<112xi32, #tpu.memory_space<vmem>>
    %dma_wait3A_92 = arith.constant 0 : i32
    %dma_wait3A_93 = arith.constant 0 : i32
    %dma_wait3A_94 = tpu.memref_slice %arg2[%dma_wait3A_92, %dma_wait3A_93] : memref<100000x256xf32, #tpu.memory_space<hbm>> -> memref<100000x256xf32, #tpu.memory_space<hbm>>
    tpu.wait_indirect_dma semaphore(%arg8 : memref<!tpu.dma_semaphore, #tpu.memory_space<semaphore_mem>>) src(%dma_wait3A_94 : memref<100000x256xf32, #tpu.memory_space<hbm>>) dst(%dma_wait3A_88 : memref<112x256xf32, #tpu.memory_space<vmem>>)
    %add3A_95 = arith.constant 112 : i32
    %add3A_96 = arith.addi %mul3A_2, %add3A_95 : i32
    %dma_start3A_97 = arith.constant 1 : i32
    %dma_start3A_98 = arith.constant 0 : i32
    %dma_start3A_99 = arith.constant 0 : i32
    %dma_start3A_100 = tpu.memref_slice %arg6[%dma_start3A_97, %dma_start3A_98, %dma_start3A_99] : memref<2x112x256xf32, #tpu.memory_space<vmem>> -> memref<1x112x256xf32, #tpu.memory_space<vmem>>
    %dma_start3A_101 = tpu.memref_squeeze %dma_start3A_100 : memref<1x112x256xf32, #tpu.memory_space<vmem>> -> memref<112x256xf32, #tpu.memory_space<vmem>>
    %dma_start3A_102 = arith.constant 0 : i32
    %dma_start3A_103 = tpu.memref_slice %arg4[%add3A_96, %dma_start3A_102] : memref<14336x256xf32, #tpu.memory_space<hbm>> -> memref<112x256xf32, #tpu.memory_space<hbm>>
    %dma_start3A_104 = arith.constant 0 : i32
    %dma_start3A_105 = tpu.memref_slice %arg4[%add3A_96, %dma_start3A_104] : memref<14336x256xf32, #tpu.memory_space<hbm>> -> memref<112x256xf32, #tpu.memory_space<hbm>>
    %dma_start3A_106 = arith.constant 0 : i32
    %dma_start3A_107 = arith.constant 0 : i32
    %dma_start3A_108 = tpu.memref_slice %arg6[%dma_start3A_97, %dma_start3A_106, %dma_start3A_107] : memref<2x112x256xf32, #tpu.memory_space<vmem>> -> memref<1x112x256xf32, #tpu.memory_space<vmem>>
    %dma_start3A_109 = tpu.memref_squeeze %dma_start3A_108 : memref<1x112x256xf32, #tpu.memory_space<vmem>> -> memref<112x256xf32, #tpu.memory_space<vmem>>
    tpu.enqueue_dma source(%dma_start3A_109 : memref<112x256xf32, #tpu.memory_space<vmem>>) target(%dma_start3A_105 : memref<112x256xf32, #tpu.memory_space<hbm>>) target_semaphore(%arg9 : memref<!tpu.dma_semaphore, #tpu.memory_space<semaphore_mem>>)
    %dma_wait3A_110 = arith.constant 0 : i32
    %dma_wait3A_111 = arith.constant 0 : i32
    %dma_wait3A_112 = tpu.memref_slice %arg5[%dma_wait3A_110, %dma_wait3A_111] : memref<2x112xi32, #tpu.memory_space<vmem>> -> memref<1x112xi32, #tpu.memory_space<vmem>>
    %dma_wait3A_113 = tpu.memref_squeeze %dma_wait3A_112 : memref<1x112xi32, #tpu.memory_space<vmem>> -> memref<112xi32, #tpu.memory_space<vmem>>
    %dma_wait3A_114 = tpu.memref_slice %arg3[%add3A_61] : memref<14336xi32, #tpu.memory_space<hbm>> -> memref<112xi32, #tpu.memory_space<hbm>>
    %dma_wait3A_115 = arith.constant 0 : i32
    %dma_wait3A_116 = tpu.memref_slice %arg5[%dma_wait3A_110, %dma_wait3A_115] : memref<2x112xi32, #tpu.memory_space<vmem>> -> memref<1x112xi32, #tpu.memory_space<vmem>>
    %dma_wait3A_117 = tpu.memref_squeeze %dma_wait3A_116 : memref<1x112xi32, #tpu.memory_space<vmem>> -> memref<112xi32, #tpu.memory_space<vmem>>
    %dma_wait3A_118 = tpu.memref_slice %arg3[%add3A_61] : memref<14336xi32, #tpu.memory_space<hbm>> -> memref<112xi32, #tpu.memory_space<hbm>>
    tpu.wait_dma2 semaphore(%arg7 : memref<!tpu.dma_semaphore, #tpu.memory_space<semaphore_mem>>) src(%dma_wait3A_118 : memref<112xi32, #tpu.memory_space<hbm>>) dst(%dma_wait3A_117 : memref<112xi32, #tpu.memory_space<vmem>>)
    %add3A_119 = arith.constant 336 : i32
    %add3A_120 = arith.addi %mul3A_2, %add3A_119 : i32
    %dma_start3A_121 = arith.constant 1 : i32
    %dma_start3A_122 = arith.constant 0 : i32
    %dma_start3A_123 = tpu.memref_slice %arg5[%dma_start3A_121, %dma_start3A_122] : memref<2x112xi32, #tpu.memory_space<vmem>> -> memref<1x112xi32, #tpu.memory_space<vmem>>
    %dma_start3A_124 = tpu.memref_squeeze %dma_start3A_123 : memref<1x112xi32, #tpu.memory_space<vmem>> -> memref<112xi32, #tpu.memory_space<vmem>>
    %dma_start3A_125 = tpu.memref_slice %arg3[%add3A_120] : memref<14336xi32, #tpu.memory_space<hbm>> -> memref<112xi32, #tpu.memory_space<hbm>>
    %dma_start3A_126 = arith.constant 0 : i32
    %dma_start3A_127 = tpu.memref_slice %arg5[%dma_start3A_121, %dma_start3A_126] : memref<2x112xi32, #tpu.memory_space<vmem>> -> memref<1x112xi32, #tpu.memory_space<vmem>>
    %dma_start3A_128 = tpu.memref_squeeze %dma_start3A_127 : memref<1x112xi32, #tpu.memory_space<vmem>> -> memref<112xi32, #tpu.memory_space<vmem>>
    %dma_start3A_129 = tpu.memref_slice %arg3[%add3A_120] : memref<14336xi32, #tpu.memory_space<hbm>> -> memref<112xi32, #tpu.memory_space<hbm>>
    tpu.enqueue_dma source(%dma_start3A_129 : memref<112xi32, #tpu.memory_space<hbm>>) target(%dma_start3A_128 : memref<112xi32, #tpu.memory_space<vmem>>) target_semaphore(%arg7 : memref<!tpu.dma_semaphore, #tpu.memory_space<semaphore_mem>>)
    %dma_wait3A_130 = arith.constant 0 : i32
    %dma_wait3A_131 = arith.constant 0 : i32
    %dma_wait3A_132 = arith.constant 0 : i32
    %dma_wait3A_133 = tpu.memref_slice %arg6[%dma_wait3A_130, %dma_wait3A_131, %dma_wait3A_132] : memref<2x112x256xf32, #tpu.memory_space<vmem>> -> memref<1x112x256xf32, #tpu.memory_space<vmem>>
    %dma_wait3A_134 = tpu.memref_squeeze %dma_wait3A_133 : memref<1x112x256xf32, #tpu.memory_space<vmem>> -> memref<112x256xf32, #tpu.memory_space<vmem>>
    %dma_wait3A_135 = arith.constant 0 : i32
    %dma_wait3A_136 = tpu.memref_slice %arg4[%add3A_37, %dma_wait3A_135] : memref<14336x256xf32, #tpu.memory_space<hbm>> -> memref<112x256xf32, #tpu.memory_space<hbm>>
    %dma_wait3A_137 = arith.constant 0 : i32
    %dma_wait3A_138 = tpu.memref_slice %arg4[%add3A_37, %dma_wait3A_137] : memref<14336x256xf32, #tpu.memory_space<hbm>> -> memref<112x256xf32, #tpu.memory_space<hbm>>
    %dma_wait3A_139 = arith.constant 0 : i32
    %dma_wait3A_140 = arith.constant 0 : i32
    %dma_wait3A_141 = tpu.memref_slice %arg6[%dma_wait3A_130, %dma_wait3A_139, %dma_wait3A_140] : memref<2x112x256xf32, #tpu.memory_space<vmem>> -> memref<1x112x256xf32, #tpu.memory_space<vmem>>
    %dma_wait3A_142 = tpu.memref_squeeze %dma_wait3A_141 : memref<1x112x256xf32, #tpu.memory_space<vmem>> -> memref<112x256xf32, #tpu.memory_space<vmem>>
    tpu.wait_dma2 semaphore(%arg9 : memref<!tpu.dma_semaphore, #tpu.memory_space<semaphore_mem>>) src(%dma_wait3A_142 : memref<112x256xf32, #tpu.memory_space<vmem>>) dst(%dma_wait3A_138 : memref<112x256xf32, #tpu.memory_space<hbm>>)
    %dma_start3A_143 = arith.constant 0 : i32
    %dma_start3A_144 = arith.constant 0 : i32
    %dma_start3A_145 = arith.constant 0 : i32
    %dma_start3A_146 = arith.constant 0 : i32
    %dma_start3A_147 = tpu.memref_slice %arg6[%dma_start3A_144, %dma_start3A_145, %dma_start3A_146] : memref<2x112x256xf32, #tpu.memory_space<vmem>> -> memref<1x112x256xf32, #tpu.memory_space<vmem>>
    %dma_start3A_148 = tpu.memref_squeeze %dma_start3A_147 : memref<1x112x256xf32, #tpu.memory_space<vmem>> -> memref<112x256xf32, #tpu.memory_space<vmem>>
    %dma_start3A_149 = arith.constant 0 : i32
    %dma_start3A_150 = tpu.memref_slice %arg5[%dma_start3A_143, %dma_start3A_149] : memref<2x112xi32, #tpu.memory_space<vmem>> -> memref<1x112xi32, #tpu.memory_space<vmem>>
    %dma_start3A_151 = tpu.memref_squeeze %dma_start3A_150 : memref<1x112xi32, #tpu.memory_space<vmem>> -> memref<112xi32, #tpu.memory_space<vmem>>
    %dma_start3A_152 = arith.constant 0 : i32
    %dma_start3A_153 = arith.constant 0 : i32
    %dma_start3A_154 = tpu.memref_slice %arg2[%dma_start3A_152, %dma_start3A_153] : memref<100000x256xf32, #tpu.memory_space<hbm>> -> memref<100000x256xf32, #tpu.memory_space<hbm>>
    tpu.enqueue_indirect_dma source(%dma_start3A_154 : memref<100000x256xf32, #tpu.memory_space<hbm>>) target(%dma_start3A_148 : memref<112x256xf32, #tpu.memory_space<vmem>>) offsets(%dma_start3A_151 : memref<112xi32, #tpu.memory_space<vmem>>) semaphore(%arg8 : memref<!tpu.dma_semaphore, #tpu.memory_space<semaphore_mem>>)
    %dma_wait3A_155 = arith.constant 0 : i32
    %dma_wait3A_156 = arith.constant 0 : i32
    %dma_wait3A_157 = arith.constant 0 : i32
    %dma_wait3A_158 = arith.constant 0 : i32
    %dma_wait3A_159 = tpu.memref_slice %arg6[%dma_wait3A_156, %dma_wait3A_157, %dma_wait3A_158] : memref<2x112x256xf32, #tpu.memory_space<vmem>> -> memref<1x112x256xf32, #tpu.memory_space<vmem>>
    %dma_wait3A_160 = tpu.memref_squeeze %dma_wait3A_159 : memref<1x112x256xf32, #tpu.memory_space<vmem>> -> memref<112x256xf32, #tpu.memory_space<vmem>>
    %dma_wait3A_161 = arith.constant 0 : i32
    %dma_wait3A_162 = tpu.memref_slice %arg5[%dma_wait3A_155, %dma_wait3A_161] : memref<2x112xi32, #tpu.memory_space<vmem>> -> memref<1x112xi32, #tpu.memory_space<vmem>>
    %dma_wait3A_163 = tpu.memref_squeeze %dma_wait3A_162 : memref<1x112xi32, #tpu.memory_space<vmem>> -> memref<112xi32, #tpu.memory_space<vmem>>
    %dma_wait3A_164 = arith.constant 0 : i32
    %dma_wait3A_165 = arith.constant 0 : i32
    %dma_wait3A_166 = tpu.memref_slice %arg2[%dma_wait3A_164, %dma_wait3A_165] : memref<100000x256xf32, #tpu.memory_space<hbm>> -> memref<100000x256xf32, #tpu.memory_space<hbm>>
    tpu.wait_indirect_dma semaphore(%arg8 : memref<!tpu.dma_semaphore, #tpu.memory_space<semaphore_mem>>) src(%dma_wait3A_166 : memref<100000x256xf32, #tpu.memory_space<hbm>>) dst(%dma_wait3A_160 : memref<112x256xf32, #tpu.memory_space<vmem>>)
    %add3A_167 = arith.constant 224 : i32
    %add3A_168 = arith.addi %mul3A_2, %add3A_167 : i32
    %dma_start3A_169 = arith.constant 0 : i32
    %dma_start3A_170 = arith.constant 0 : i32
    %dma_start3A_171 = arith.constant 0 : i32
    %dma_start3A_172 = tpu.memref_slice %arg6[%dma_start3A_169, %dma_start3A_170, %dma_start3A_171] : memref<2x112x256xf32, #tpu.memory_space<vmem>> -> memref<1x112x256xf32, #tpu.memory_space<vmem>>
    %dma_start3A_173 = tpu.memref_squeeze %dma_start3A_172 : memref<1x112x256xf32, #tpu.memory_space<vmem>> -> memref<112x256xf32, #tpu.memory_space<vmem>>
    %dma_start3A_174 = arith.constant 0 : i32
    %dma_start3A_175 = tpu.memref_slice %arg4[%add3A_168, %dma_start3A_174] : memref<14336x256xf32, #tpu.memory_space<hbm>> -> memref<112x256xf32, #tpu.memory_space<hbm>>
    %dma_start3A_176 = arith.constant 0 : i32
    %dma_start3A_177 = tpu.memref_slice %arg4[%add3A_168, %dma_start3A_176] : memref<14336x256xf32, #tpu.memory_space<hbm>> -> memref<112x256xf32, #tpu.memory_space<hbm>>
    %dma_start3A_178 = arith.constant 0 : i32
    %dma_start3A_179 = arith.constant 0 : i32
    %dma_start3A_180 = tpu.memref_slice %arg6[%dma_start3A_169, %dma_start3A_178, %dma_start3A_179] : memref<2x112x256xf32, #tpu.memory_space<vmem>> -> memref<1x112x256xf32, #tpu.memory_space<vmem>>
    %dma_start3A_181 = tpu.memref_squeeze %dma_start3A_180 : memref<1x112x256xf32, #tpu.memory_space<vmem>> -> memref<112x256xf32, #tpu.memory_space<vmem>>
    tpu.enqueue_dma source(%dma_start3A_181 : memref<112x256xf32, #tpu.memory_space<vmem>>) target(%dma_start3A_177 : memref<112x256xf32, #tpu.memory_space<hbm>>) target_semaphore(%arg9 : memref<!tpu.dma_semaphore, #tpu.memory_space<semaphore_mem>>)
    %dma_wait3A_182 = arith.constant 1 : i32
    %dma_wait3A_183 = arith.constant 0 : i32
    %dma_wait3A_184 = tpu.memref_slice %arg5[%dma_wait3A_182, %dma_wait3A_183] : memref<2x112xi32, #tpu.memory_space<vmem>> -> memref<1x112xi32, #tpu.memory_space<vmem>>
    %dma_wait3A_185 = tpu.memref_squeeze %dma_wait3A_184 : memref<1x112xi32, #tpu.memory_space<vmem>> -> memref<112xi32, #tpu.memory_space<vmem>>
    %dma_wait3A_186 = tpu.memref_slice %arg3[%add3A_120] : memref<14336xi32, #tpu.memory_space<hbm>> -> memref<112xi32, #tpu.memory_space<hbm>>
    %dma_wait3A_187 = arith.constant 0 : i32
    %dma_wait3A_188 = tpu.memref_slice %arg5[%dma_wait3A_182, %dma_wait3A_187] : memref<2x112xi32, #tpu.memory_space<vmem>> -> memref<1x112xi32, #tpu.memory_space<vmem>>
    %dma_wait3A_189 = tpu.memref_squeeze %dma_wait3A_188 : memref<1x112xi32, #tpu.memory_space<vmem>> -> memref<112xi32, #tpu.memory_space<vmem>>
    %dma_wait3A_190 = tpu.memref_slice %arg3[%add3A_120] : memref<14336xi32, #tpu.memory_space<hbm>> -> memref<112xi32, #tpu.memory_space<hbm>>
    tpu.wait_dma2 semaphore(%arg7 : memref<!tpu.dma_semaphore, #tpu.memory_space<semaphore_mem>>) src(%dma_wait3A_190 : memref<112xi32, #tpu.memory_space<hbm>>) dst(%dma_wait3A_189 : memref<112xi32, #tpu.memory_space<vmem>>)
    %dma_wait3A_191 = arith.constant 1 : i32
    %dma_wait3A_192 = arith.constant 0 : i32
    %dma_wait3A_193 = arith.constant 0 : i32
    %dma_wait3A_194 = tpu.memref_slice %arg6[%dma_wait3A_191, %dma_wait3A_192, %dma_wait3A_193] : memref<2x112x256xf32, #tpu.memory_space<vmem>> -> memref<1x112x256xf32, #tpu.memory_space<vmem>>
    %dma_wait3A_195 = tpu.memref_squeeze %dma_wait3A_194 : memref<1x112x256xf32, #tpu.memory_space<vmem>> -> memref<112x256xf32, #tpu.memory_space<vmem>>
    %dma_wait3A_196 = arith.constant 0 : i32
    %dma_wait3A_197 = tpu.memref_slice %arg4[%add3A_96, %dma_wait3A_196] : memref<14336x256xf32, #tpu.memory_space<hbm>> -> memref<112x256xf32, #tpu.memory_space<hbm>>
    %dma_wait3A_198 = arith.constant 0 : i32
    %dma_wait3A_199 = tpu.memref_slice %arg4[%add3A_96, %dma_wait3A_198] : memref<14336x256xf32, #tpu.memory_space<hbm>> -> memref<112x256xf32, #tpu.memory_space<hbm>>
    %dma_wait3A_200 = arith.constant 0 : i32
    %dma_wait3A_201 = arith.constant 0 : i32
    %dma_wait3A_202 = tpu.memref_slice %arg6[%dma_wait3A_191, %dma_wait3A_200, %dma_wait3A_201] : memref<2x112x256xf32, #tpu.memory_space<vmem>> -> memref<1x112x256xf32, #tpu.memory_space<vmem>>
    %dma_wait3A_203 = tpu.memref_squeeze %dma_wait3A_202 : memref<1x112x256xf32, #tpu.memory_space<vmem>> -> memref<112x256xf32, #tpu.memory_space<vmem>>
    tpu.wait_dma2 semaphore(%arg9 : memref<!tpu.dma_semaphore, #tpu.memory_space<semaphore_mem>>) src(%dma_wait3A_203 : memref<112x256xf32, #tpu.memory_space<vmem>>) dst(%dma_wait3A_199 : memref<112x256xf32, #tpu.memory_space<hbm>>)
    %dma_start3A_204 = arith.constant 1 : i32
    %dma_start3A_205 = arith.constant 1 : i32
    %dma_start3A_206 = arith.constant 0 : i32
    %dma_start3A_207 = arith.constant 0 : i32
    %dma_start3A_208 = tpu.memref_slice %arg6[%dma_start3A_205, %dma_start3A_206, %dma_start3A_207] : memref<2x112x256xf32, #tpu.memory_space<vmem>> -> memref<1x112x256xf32, #tpu.memory_space<vmem>>
    %dma_start3A_209 = tpu.memref_squeeze %dma_start3A_208 : memref<1x112x256xf32, #tpu.memory_space<vmem>> -> memref<112x256xf32, #tpu.memory_space<vmem>>
    %dma_start3A_210 = arith.constant 0 : i32
    %dma_start3A_211 = tpu.memref_slice %arg5[%dma_start3A_204, %dma_start3A_210] : memref<2x112xi32, #tpu.memory_space<vmem>> -> memref<1x112xi32, #tpu.memory_space<vmem>>
    %dma_start3A_212 = tpu.memref_squeeze %dma_start3A_211 : memref<1x112xi32, #tpu.memory_space<vmem>> -> memref<112xi32, #tpu.memory_space<vmem>>
    %dma_start3A_213 = arith.constant 0 : i32
    %dma_start3A_214 = arith.constant 0 : i32
    %dma_start3A_215 = tpu.memref_slice %arg2[%dma_start3A_213, %dma_start3A_214] : memref<100000x256xf32, #tpu.memory_space<hbm>> -> memref<100000x256xf32, #tpu.memory_space<hbm>>
    tpu.enqueue_indirect_dma source(%dma_start3A_215 : memref<100000x256xf32, #tpu.memory_space<hbm>>) target(%dma_start3A_209 : memref<112x256xf32, #tpu.memory_space<vmem>>) offsets(%dma_start3A_212 : memref<112xi32, #tpu.memory_space<vmem>>) semaphore(%arg8 : memref<!tpu.dma_semaphore, #tpu.memory_space<semaphore_mem>>)
    %dma_wait3A_216 = arith.constant 1 : i32
    %dma_wait3A_217 = arith.constant 1 : i32
    %dma_wait3A_218 = arith.constant 0 : i32
    %dma_wait3A_219 = arith.constant 0 : i32
    %dma_wait3A_220 = tpu.memref_slice %arg6[%dma_wait3A_217, %dma_wait3A_218, %dma_wait3A_219] : memref<2x112x256xf32, #tpu.memory_space<vmem>> -> memref<1x112x256xf32, #tpu.memory_space<vmem>>
    %dma_wait3A_221 = tpu.memref_squeeze %dma_wait3A_220 : memref<1x112x256xf32, #tpu.memory_space<vmem>> -> memref<112x256xf32, #tpu.memory_space<vmem>>
    %dma_wait3A_222 = arith.constant 0 : i32
    %dma_wait3A_223 = tpu.memref_slice %arg5[%dma_wait3A_216, %dma_wait3A_222] : memref<2x112xi32, #tpu.memory_space<vmem>> -> memref<1x112xi32, #tpu.memory_space<vmem>>
    %dma_wait3A_224 = tpu.memref_squeeze %dma_wait3A_223 : memref<1x112xi32, #tpu.memory_space<vmem>> -> memref<112xi32, #tpu.memory_space<vmem>>
    %dma_wait3A_225 = arith.constant 0 : i32
    %dma_wait3A_226 = arith.constant 0 : i32
    %dma_wait3A_227 = tpu.memref_slice %arg2[%dma_wait3A_225, %dma_wait3A_226] : memref<100000x256xf32, #tpu.memory_space<hbm>> -> memref<100000x256xf32, #tpu.memory_space<hbm>>
    tpu.wait_indirect_dma semaphore(%arg8 : memref<!tpu.dma_semaphore, #tpu.memory_space<semaphore_mem>>) src(%dma_wait3A_227 : memref<100000x256xf32, #tpu.memory_space<hbm>>) dst(%dma_wait3A_221 : memref<112x256xf32, #tpu.memory_space<vmem>>)
    %add3A_228 = arith.constant 336 : i32
    %add3A_229 = arith.addi %mul3A_2, %add3A_228 : i32
    %dma_start3A_230 = arith.constant 1 : i32
    %dma_start3A_231 = arith.constant 0 : i32
    %dma_start3A_232 = arith.constant 0 : i32
    %dma_start3A_233 = tpu.memref_slice %arg6[%dma_start3A_230, %dma_start3A_231, %dma_start3A_232] : memref<2x112x256xf32, #tpu.memory_space<vmem>> -> memref<1x112x256xf32, #tpu.memory_space<vmem>>
    %dma_start3A_234 = tpu.memref_squeeze %dma_start3A_233 : memref<1x112x256xf32, #tpu.memory_space<vmem>> -> memref<112x256xf32, #tpu.memory_space<vmem>>
    %dma_start3A_235 = arith.constant 0 : i32
    %dma_start3A_236 = tpu.memref_slice %arg4[%add3A_229, %dma_start3A_235] : memref<14336x256xf32, #tpu.memory_space<hbm>> -> memref<112x256xf32, #tpu.memory_space<hbm>>
    %dma_start3A_237 = arith.constant 0 : i32
    %dma_start3A_238 = tpu.memref_slice %arg4[%add3A_229, %dma_start3A_237] : memref<14336x256xf32, #tpu.memory_space<hbm>> -> memref<112x256xf32, #tpu.memory_space<hbm>>
    %dma_start3A_239 = arith.constant 0 : i32
    %dma_start3A_240 = arith.constant 0 : i32
    %dma_start3A_241 = tpu.memref_slice %arg6[%dma_start3A_230, %dma_start3A_239, %dma_start3A_240] : memref<2x112x256xf32, #tpu.memory_space<vmem>> -> memref<1x112x256xf32, #tpu.memory_space<vmem>>
    %dma_start3A_242 = tpu.memref_squeeze %dma_start3A_241 : memref<1x112x256xf32, #tpu.memory_space<vmem>> -> memref<112x256xf32, #tpu.memory_space<vmem>>
    tpu.enqueue_dma source(%dma_start3A_242 : memref<112x256xf32, #tpu.memory_space<vmem>>) target(%dma_start3A_238 : memref<112x256xf32, #tpu.memory_space<hbm>>) target_semaphore(%arg9 : memref<!tpu.dma_semaphore, #tpu.memory_space<semaphore_mem>>)
    %dma_wait3A_243 = arith.constant 0 : i32
    %dma_wait3A_244 = arith.constant 0 : i32
    %dma_wait3A_245 = arith.constant 0 : i32
    %dma_wait3A_246 = tpu.memref_slice %arg6[%dma_wait3A_243, %dma_wait3A_244, %dma_wait3A_245] : memref<2x112x256xf32, #tpu.memory_space<vmem>> -> memref<1x112x256xf32, #tpu.memory_space<vmem>>
    %dma_wait3A_247 = tpu.memref_squeeze %dma_wait3A_246 : memref<1x112x256xf32, #tpu.memory_space<vmem>> -> memref<112x256xf32, #tpu.memory_space<vmem>>
    %dma_wait3A_248 = arith.constant 0 : i32
    %dma_wait3A_249 = tpu.memref_slice %arg4[%add3A_168, %dma_wait3A_248] : memref<14336x256xf32, #tpu.memory_space<hbm>> -> memref<112x256xf32, #tpu.memory_space<hbm>>
    %dma_wait3A_250 = arith.constant 0 : i32
    %dma_wait3A_251 = tpu.memref_slice %arg4[%add3A_168, %dma_wait3A_250] : memref<14336x256xf32, #tpu.memory_space<hbm>> -> memref<112x256xf32, #tpu.memory_space<hbm>>
    %dma_wait3A_252 = arith.constant 0 : i32
    %dma_wait3A_253 = arith.constant 0 : i32
    %dma_wait3A_254 = tpu.memref_slice %arg6[%dma_wait3A_243, %dma_wait3A_252, %dma_wait3A_253] : memref<2x112x256xf32, #tpu.memory_space<vmem>> -> memref<1x112x256xf32, #tpu.memory_space<vmem>>
    %dma_wait3A_255 = tpu.memref_squeeze %dma_wait3A_254 : memref<1x112x256xf32, #tpu.memory_space<vmem>> -> memref<112x256xf32, #tpu.memory_space<vmem>>
    tpu.wait_dma2 semaphore(%arg9 : memref<!tpu.dma_semaphore, #tpu.memory_space<semaphore_mem>>) src(%dma_wait3A_255 : memref<112x256xf32, #tpu.memory_space<vmem>>) dst(%dma_wait3A_251 : memref<112x256xf32, #tpu.memory_space<hbm>>)
    %dma_wait3A_256 = arith.constant 1 : i32
    %dma_wait3A_257 = arith.constant 0 : i32
    %dma_wait3A_258 = arith.constant 0 : i32
    %dma_wait3A_259 = tpu.memref_slice %arg6[%dma_wait3A_256, %dma_wait3A_257, %dma_wait3A_258] : memref<2x112x256xf32, #tpu.memory_space<vmem>> -> memref<1x112x256xf32, #tpu.memory_space<vmem>>
    %dma_wait3A_260 = tpu.memref_squeeze %dma_wait3A_259 : memref<1x112x256xf32, #tpu.memory_space<vmem>> -> memref<112x256xf32, #tpu.memory_space<vmem>>
    %dma_wait3A_261 = arith.constant 0 : i32
    %dma_wait3A_262 = tpu.memref_slice %arg4[%add3A_229, %dma_wait3A_261] : memref<14336x256xf32, #tpu.memory_space<hbm>> -> memref<112x256xf32, #tpu.memory_space<hbm>>
    %dma_wait3A_263 = arith.constant 0 : i32
    %dma_wait3A_264 = tpu.memref_slice %arg4[%add3A_229, %dma_wait3A_263] : memref<14336x256xf32, #tpu.memory_space<hbm>> -> memref<112x256xf32, #tpu.memory_space<hbm>>
    %dma_wait3A_265 = arith.constant 0 : i32
    %dma_wait3A_266 = arith.constant 0 : i32
    %dma_wait3A_267 = tpu.memref_slice %arg6[%dma_wait3A_256, %dma_wait3A_265, %dma_wait3A_266] : memref<2x112x256xf32, #tpu.memory_space<vmem>> -> memref<1x112x256xf32, #tpu.memory_space<vmem>>
    %dma_wait3A_268 = tpu.memref_squeeze %dma_wait3A_267 : memref<1x112x256xf32, #tpu.memory_space<vmem>> -> memref<112x256xf32, #tpu.memory_space<vmem>>
    tpu.wait_dma2 semaphore(%arg9 : memref<!tpu.dma_semaphore, #tpu.memory_space<semaphore_mem>>) src(%dma_wait3A_268 : memref<112x256xf32, #tpu.memory_space<vmem>>) dst(%dma_wait3A_264 : memref<112x256xf32, #tpu.memory_space<hbm>>)
    return
  }
}

#map = affine_map<(d0, d1) -> (0, 0)>
#map1 = affine_map<(d0, d1) -> (0)>
module attributes {stable_mosaic.version = 14 : i64} {
  func.func @gather(%arg0: i32, %arg1: i32, %arg2: memref<100000x256xf32, #tpu.memory_space<hbm>>, %arg3: memref<6144xi32, #tpu.memory_space<hbm>>, %arg4: memref<6144x256xf32, #tpu.memory_space<hbm>>, %arg5: memref<2x96xi32, #tpu.memory_space<vmem>>, %arg6: memref<2x96x256xf32, #tpu.memory_space<vmem>>, %arg7: memref<!tpu.dma_semaphore, #tpu.memory_space<semaphore_mem>>, %arg8: memref<!tpu.dma_semaphore, #tpu.memory_space<semaphore_mem>>, %arg9: memref<!tpu.dma_semaphore, #tpu.memory_space<semaphore_mem>>) attributes {dimension_semantics = [#tpu.dimension_semantics<core_parallel>, #tpu.dimension_semantics<subcore_parallel>], iteration_bounds = array<i64: 2, 16>, scalar_prefetch = 0 : i64, scratch_operands = 5 : i64, tpu.core_type = #tpu.core_type<sc_vector_subcore>, window_params = [{transform_indices = #map}, {transform_indices = #map1}, {transform_indices = #map}]} {
    %mul3A = arith.constant 2 : i32
    %mul3A_0 = arith.muli %arg1, %mul3A : i32
    %add3A = arith.addi %mul3A_0, %arg0 : i32
    %mul3A_1 = arith.constant 192 : i32
    %mul3A_2 = arith.muli %add3A, %mul3A_1 : i32
    %run_scoped3A = arith.constant 0 : i32
    "tpu.region"() ({
      %run_scoped3A_125 = tpu.sem_alloc : memref<!tpu.dma_semaphore, #tpu.memory_space<semaphore_mem>>
      %dma_start3A_126 = arith.constant 0 : i32
      %dma_start3A_127 = tpu.memref_slice %arg5[%run_scoped3A, %dma_start3A_126] : memref<2x96xi32, #tpu.memory_space<vmem>> -> memref<1x96xi32, #tpu.memory_space<vmem>>
      %dma_start3A_128 = tpu.memref_squeeze %dma_start3A_127 : memref<1x96xi32, #tpu.memory_space<vmem>> -> memref<96xi32, #tpu.memory_space<vmem>>
      %dma_start3A_129 = tpu.memref_slice %arg3[%mul3A_2] : memref<6144xi32, #tpu.memory_space<hbm>> -> memref<96xi32, #tpu.memory_space<hbm>>
      %dma_start3A_130 = arith.constant 0 : i32
      %dma_start3A_131 = tpu.memref_slice %arg5[%run_scoped3A, %dma_start3A_130] : memref<2x96xi32, #tpu.memory_space<vmem>> -> memref<1x96xi32, #tpu.memory_space<vmem>>
      %dma_start3A_132 = tpu.memref_squeeze %dma_start3A_131 : memref<1x96xi32, #tpu.memory_space<vmem>> -> memref<96xi32, #tpu.memory_space<vmem>>
      %dma_start3A_133 = tpu.memref_slice %arg3[%mul3A_2] : memref<6144xi32, #tpu.memory_space<hbm>> -> memref<96xi32, #tpu.memory_space<hbm>>
      tpu.enqueue_dma source(%dma_start3A_133 : memref<96xi32, #tpu.memory_space<hbm>>) target(%dma_start3A_132 : memref<96xi32, #tpu.memory_space<vmem>>) target_semaphore(%run_scoped3A_125 : memref<!tpu.dma_semaphore, #tpu.memory_space<semaphore_mem>>)
      %dma_wait3A_134 = arith.constant 0 : i32
      %dma_wait3A_135 = tpu.memref_slice %arg5[%run_scoped3A, %dma_wait3A_134] : memref<2x96xi32, #tpu.memory_space<vmem>> -> memref<1x96xi32, #tpu.memory_space<vmem>>
      %dma_wait3A_136 = tpu.memref_squeeze %dma_wait3A_135 : memref<1x96xi32, #tpu.memory_space<vmem>> -> memref<96xi32, #tpu.memory_space<vmem>>
      %dma_wait3A_137 = tpu.memref_slice %arg3[%mul3A_2] : memref<6144xi32, #tpu.memory_space<hbm>> -> memref<96xi32, #tpu.memory_space<hbm>>
      %dma_wait3A_138 = arith.constant 0 : i32
      %dma_wait3A_139 = tpu.memref_slice %arg5[%run_scoped3A, %dma_wait3A_138] : memref<2x96xi32, #tpu.memory_space<vmem>> -> memref<1x96xi32, #tpu.memory_space<vmem>>
      %dma_wait3A_140 = tpu.memref_squeeze %dma_wait3A_139 : memref<1x96xi32, #tpu.memory_space<vmem>> -> memref<96xi32, #tpu.memory_space<vmem>>
      %dma_wait3A_141 = tpu.memref_slice %arg3[%mul3A_2] : memref<6144xi32, #tpu.memory_space<hbm>> -> memref<96xi32, #tpu.memory_space<hbm>>
      tpu.wait_dma2 semaphore(%run_scoped3A_125 : memref<!tpu.dma_semaphore, #tpu.memory_space<semaphore_mem>>) src(%dma_wait3A_141 : memref<96xi32, #tpu.memory_space<hbm>>) dst(%dma_wait3A_140 : memref<96xi32, #tpu.memory_space<vmem>>)
      tpu.yield
    }) : () -> ()
    %add3A_3 = arith.constant 96 : i32
    %add3A_4 = arith.addi %mul3A_2, %add3A_3 : i32
    %dma_start3A = arith.constant 1 : i32
    %dma_start3A_5 = arith.constant 0 : i32
    %dma_start3A_6 = tpu.memref_slice %arg5[%dma_start3A, %dma_start3A_5] : memref<2x96xi32, #tpu.memory_space<vmem>> -> memref<1x96xi32, #tpu.memory_space<vmem>>
    %dma_start3A_7 = tpu.memref_squeeze %dma_start3A_6 : memref<1x96xi32, #tpu.memory_space<vmem>> -> memref<96xi32, #tpu.memory_space<vmem>>
    %dma_start3A_8 = tpu.memref_slice %arg3[%add3A_4] : memref<6144xi32, #tpu.memory_space<hbm>> -> memref<96xi32, #tpu.memory_space<hbm>>
    %dma_start3A_9 = arith.constant 0 : i32
    %dma_start3A_10 = tpu.memref_slice %arg5[%dma_start3A, %dma_start3A_9] : memref<2x96xi32, #tpu.memory_space<vmem>> -> memref<1x96xi32, #tpu.memory_space<vmem>>
    %dma_start3A_11 = tpu.memref_squeeze %dma_start3A_10 : memref<1x96xi32, #tpu.memory_space<vmem>> -> memref<96xi32, #tpu.memory_space<vmem>>
    %dma_start3A_12 = tpu.memref_slice %arg3[%add3A_4] : memref<6144xi32, #tpu.memory_space<hbm>> -> memref<96xi32, #tpu.memory_space<hbm>>
    tpu.enqueue_dma source(%dma_start3A_12 : memref<96xi32, #tpu.memory_space<hbm>>) target(%dma_start3A_11 : memref<96xi32, #tpu.memory_space<vmem>>) target_semaphore(%arg7 : memref<!tpu.dma_semaphore, #tpu.memory_space<semaphore_mem>>)
    %dma_start3A_13 = arith.constant 0 : i32
    %dma_start3A_14 = arith.constant 0 : i32
    %dma_start3A_15 = arith.constant 0 : i32
    %dma_start3A_16 = arith.constant 0 : i32
    %dma_start3A_17 = tpu.memref_slice %arg6[%dma_start3A_14, %dma_start3A_15, %dma_start3A_16] : memref<2x96x256xf32, #tpu.memory_space<vmem>> -> memref<1x96x256xf32, #tpu.memory_space<vmem>>
    %dma_start3A_18 = tpu.memref_squeeze %dma_start3A_17 : memref<1x96x256xf32, #tpu.memory_space<vmem>> -> memref<96x256xf32, #tpu.memory_space<vmem>>
    %dma_start3A_19 = arith.constant 0 : i32
    %dma_start3A_20 = tpu.memref_slice %arg5[%dma_start3A_13, %dma_start3A_19] : memref<2x96xi32, #tpu.memory_space<vmem>> -> memref<1x96xi32, #tpu.memory_space<vmem>>
    %dma_start3A_21 = tpu.memref_squeeze %dma_start3A_20 : memref<1x96xi32, #tpu.memory_space<vmem>> -> memref<96xi32, #tpu.memory_space<vmem>>
    %dma_start3A_22 = arith.constant 0 : i32
    %dma_start3A_23 = arith.constant 0 : i32
    %dma_start3A_24 = tpu.memref_slice %arg2[%dma_start3A_22, %dma_start3A_23] : memref<100000x256xf32, #tpu.memory_space<hbm>> -> memref<100000x256xf32, #tpu.memory_space<hbm>>
    tpu.enqueue_indirect_dma source(%dma_start3A_24 : memref<100000x256xf32, #tpu.memory_space<hbm>>) target(%dma_start3A_18 : memref<96x256xf32, #tpu.memory_space<vmem>>) offsets(%dma_start3A_21 : memref<96xi32, #tpu.memory_space<vmem>>) semaphore(%arg8 : memref<!tpu.dma_semaphore, #tpu.memory_space<semaphore_mem>>)
    %dma_wait3A = arith.constant 0 : i32
    %dma_wait3A_25 = arith.constant 0 : i32
    %dma_wait3A_26 = arith.constant 0 : i32
    %dma_wait3A_27 = arith.constant 0 : i32
    %dma_wait3A_28 = tpu.memref_slice %arg6[%dma_wait3A_25, %dma_wait3A_26, %dma_wait3A_27] : memref<2x96x256xf32, #tpu.memory_space<vmem>> -> memref<1x96x256xf32, #tpu.memory_space<vmem>>
    %dma_wait3A_29 = tpu.memref_squeeze %dma_wait3A_28 : memref<1x96x256xf32, #tpu.memory_space<vmem>> -> memref<96x256xf32, #tpu.memory_space<vmem>>
    %dma_wait3A_30 = arith.constant 0 : i32
    %dma_wait3A_31 = tpu.memref_slice %arg5[%dma_wait3A, %dma_wait3A_30] : memref<2x96xi32, #tpu.memory_space<vmem>> -> memref<1x96xi32, #tpu.memory_space<vmem>>
    %dma_wait3A_32 = tpu.memref_squeeze %dma_wait3A_31 : memref<1x96xi32, #tpu.memory_space<vmem>> -> memref<96xi32, #tpu.memory_space<vmem>>
    %dma_wait3A_33 = arith.constant 0 : i32
    %dma_wait3A_34 = arith.constant 0 : i32
    %dma_wait3A_35 = tpu.memref_slice %arg2[%dma_wait3A_33, %dma_wait3A_34] : memref<100000x256xf32, #tpu.memory_space<hbm>> -> memref<100000x256xf32, #tpu.memory_space<hbm>>
    tpu.wait_indirect_dma semaphore(%arg8 : memref<!tpu.dma_semaphore, #tpu.memory_space<semaphore_mem>>) src(%dma_wait3A_35 : memref<100000x256xf32, #tpu.memory_space<hbm>>) dst(%dma_wait3A_29 : memref<96x256xf32, #tpu.memory_space<vmem>>)
    %add3A_36 = arith.constant 0 : i32
    %add3A_37 = arith.addi %mul3A_2, %add3A_36 : i32
    %dma_start3A_38 = arith.constant 0 : i32
    %dma_start3A_39 = arith.constant 0 : i32
    %dma_start3A_40 = arith.constant 0 : i32
    %dma_start3A_41 = tpu.memref_slice %arg6[%dma_start3A_38, %dma_start3A_39, %dma_start3A_40] : memref<2x96x256xf32, #tpu.memory_space<vmem>> -> memref<1x96x256xf32, #tpu.memory_space<vmem>>
    %dma_start3A_42 = tpu.memref_squeeze %dma_start3A_41 : memref<1x96x256xf32, #tpu.memory_space<vmem>> -> memref<96x256xf32, #tpu.memory_space<vmem>>
    %dma_start3A_43 = arith.constant 0 : i32
    %dma_start3A_44 = tpu.memref_slice %arg4[%add3A_37, %dma_start3A_43] : memref<6144x256xf32, #tpu.memory_space<hbm>> -> memref<96x256xf32, #tpu.memory_space<hbm>>
    %dma_start3A_45 = arith.constant 0 : i32
    %dma_start3A_46 = tpu.memref_slice %arg4[%add3A_37, %dma_start3A_45] : memref<6144x256xf32, #tpu.memory_space<hbm>> -> memref<96x256xf32, #tpu.memory_space<hbm>>
    %dma_start3A_47 = arith.constant 0 : i32
    %dma_start3A_48 = arith.constant 0 : i32
    %dma_start3A_49 = tpu.memref_slice %arg6[%dma_start3A_38, %dma_start3A_47, %dma_start3A_48] : memref<2x96x256xf32, #tpu.memory_space<vmem>> -> memref<1x96x256xf32, #tpu.memory_space<vmem>>
    %dma_start3A_50 = tpu.memref_squeeze %dma_start3A_49 : memref<1x96x256xf32, #tpu.memory_space<vmem>> -> memref<96x256xf32, #tpu.memory_space<vmem>>
    tpu.enqueue_dma source(%dma_start3A_50 : memref<96x256xf32, #tpu.memory_space<vmem>>) target(%dma_start3A_46 : memref<96x256xf32, #tpu.memory_space<hbm>>) target_semaphore(%arg9 : memref<!tpu.dma_semaphore, #tpu.memory_space<semaphore_mem>>)
    %dma_wait3A_51 = arith.constant 1 : i32
    %dma_wait3A_52 = arith.constant 0 : i32
    %dma_wait3A_53 = tpu.memref_slice %arg5[%dma_wait3A_51, %dma_wait3A_52] : memref<2x96xi32, #tpu.memory_space<vmem>> -> memref<1x96xi32, #tpu.memory_space<vmem>>
    %dma_wait3A_54 = tpu.memref_squeeze %dma_wait3A_53 : memref<1x96xi32, #tpu.memory_space<vmem>> -> memref<96xi32, #tpu.memory_space<vmem>>
    %dma_wait3A_55 = tpu.memref_slice %arg3[%add3A_4] : memref<6144xi32, #tpu.memory_space<hbm>> -> memref<96xi32, #tpu.memory_space<hbm>>
    %dma_wait3A_56 = arith.constant 0 : i32
    %dma_wait3A_57 = tpu.memref_slice %arg5[%dma_wait3A_51, %dma_wait3A_56] : memref<2x96xi32, #tpu.memory_space<vmem>> -> memref<1x96xi32, #tpu.memory_space<vmem>>
    %dma_wait3A_58 = tpu.memref_squeeze %dma_wait3A_57 : memref<1x96xi32, #tpu.memory_space<vmem>> -> memref<96xi32, #tpu.memory_space<vmem>>
    %dma_wait3A_59 = tpu.memref_slice %arg3[%add3A_4] : memref<6144xi32, #tpu.memory_space<hbm>> -> memref<96xi32, #tpu.memory_space<hbm>>
    tpu.wait_dma2 semaphore(%arg7 : memref<!tpu.dma_semaphore, #tpu.memory_space<semaphore_mem>>) src(%dma_wait3A_59 : memref<96xi32, #tpu.memory_space<hbm>>) dst(%dma_wait3A_58 : memref<96xi32, #tpu.memory_space<vmem>>)
    %dma_start3A_60 = arith.constant 1 : i32
    %dma_start3A_61 = arith.constant 1 : i32
    %dma_start3A_62 = arith.constant 0 : i32
    %dma_start3A_63 = arith.constant 0 : i32
    %dma_start3A_64 = tpu.memref_slice %arg6[%dma_start3A_61, %dma_start3A_62, %dma_start3A_63] : memref<2x96x256xf32, #tpu.memory_space<vmem>> -> memref<1x96x256xf32, #tpu.memory_space<vmem>>
    %dma_start3A_65 = tpu.memref_squeeze %dma_start3A_64 : memref<1x96x256xf32, #tpu.memory_space<vmem>> -> memref<96x256xf32, #tpu.memory_space<vmem>>
    %dma_start3A_66 = arith.constant 0 : i32
    %dma_start3A_67 = tpu.memref_slice %arg5[%dma_start3A_60, %dma_start3A_66] : memref<2x96xi32, #tpu.memory_space<vmem>> -> memref<1x96xi32, #tpu.memory_space<vmem>>
    %dma_start3A_68 = tpu.memref_squeeze %dma_start3A_67 : memref<1x96xi32, #tpu.memory_space<vmem>> -> memref<96xi32, #tpu.memory_space<vmem>>
    %dma_start3A_69 = arith.constant 0 : i32
    %dma_start3A_70 = arith.constant 0 : i32
    %dma_start3A_71 = tpu.memref_slice %arg2[%dma_start3A_69, %dma_start3A_70] : memref<100000x256xf32, #tpu.memory_space<hbm>> -> memref<100000x256xf32, #tpu.memory_space<hbm>>
    tpu.enqueue_indirect_dma source(%dma_start3A_71 : memref<100000x256xf32, #tpu.memory_space<hbm>>) target(%dma_start3A_65 : memref<96x256xf32, #tpu.memory_space<vmem>>) offsets(%dma_start3A_68 : memref<96xi32, #tpu.memory_space<vmem>>) semaphore(%arg8 : memref<!tpu.dma_semaphore, #tpu.memory_space<semaphore_mem>>)
    %dma_wait3A_72 = arith.constant 1 : i32
    %dma_wait3A_73 = arith.constant 1 : i32
    %dma_wait3A_74 = arith.constant 0 : i32
    %dma_wait3A_75 = arith.constant 0 : i32
    %dma_wait3A_76 = tpu.memref_slice %arg6[%dma_wait3A_73, %dma_wait3A_74, %dma_wait3A_75] : memref<2x96x256xf32, #tpu.memory_space<vmem>> -> memref<1x96x256xf32, #tpu.memory_space<vmem>>
    %dma_wait3A_77 = tpu.memref_squeeze %dma_wait3A_76 : memref<1x96x256xf32, #tpu.memory_space<vmem>> -> memref<96x256xf32, #tpu.memory_space<vmem>>
    %dma_wait3A_78 = arith.constant 0 : i32
    %dma_wait3A_79 = tpu.memref_slice %arg5[%dma_wait3A_72, %dma_wait3A_78] : memref<2x96xi32, #tpu.memory_space<vmem>> -> memref<1x96xi32, #tpu.memory_space<vmem>>
    %dma_wait3A_80 = tpu.memref_squeeze %dma_wait3A_79 : memref<1x96xi32, #tpu.memory_space<vmem>> -> memref<96xi32, #tpu.memory_space<vmem>>
    %dma_wait3A_81 = arith.constant 0 : i32
    %dma_wait3A_82 = arith.constant 0 : i32
    %dma_wait3A_83 = tpu.memref_slice %arg2[%dma_wait3A_81, %dma_wait3A_82] : memref<100000x256xf32, #tpu.memory_space<hbm>> -> memref<100000x256xf32, #tpu.memory_space<hbm>>
    tpu.wait_indirect_dma semaphore(%arg8 : memref<!tpu.dma_semaphore, #tpu.memory_space<semaphore_mem>>) src(%dma_wait3A_83 : memref<100000x256xf32, #tpu.memory_space<hbm>>) dst(%dma_wait3A_77 : memref<96x256xf32, #tpu.memory_space<vmem>>)
    %add3A_84 = arith.constant 96 : i32
    %add3A_85 = arith.addi %mul3A_2, %add3A_84 : i32
    %dma_start3A_86 = arith.constant 1 : i32
    %dma_start3A_87 = arith.constant 0 : i32
    %dma_start3A_88 = arith.constant 0 : i32
    %dma_start3A_89 = tpu.memref_slice %arg6[%dma_start3A_86, %dma_start3A_87, %dma_start3A_88] : memref<2x96x256xf32, #tpu.memory_space<vmem>> -> memref<1x96x256xf32, #tpu.memory_space<vmem>>
    %dma_start3A_90 = tpu.memref_squeeze %dma_start3A_89 : memref<1x96x256xf32, #tpu.memory_space<vmem>> -> memref<96x256xf32, #tpu.memory_space<vmem>>
    %dma_start3A_91 = arith.constant 0 : i32
    %dma_start3A_92 = tpu.memref_slice %arg4[%add3A_85, %dma_start3A_91] : memref<6144x256xf32, #tpu.memory_space<hbm>> -> memref<96x256xf32, #tpu.memory_space<hbm>>
    %dma_start3A_93 = arith.constant 0 : i32
    %dma_start3A_94 = tpu.memref_slice %arg4[%add3A_85, %dma_start3A_93] : memref<6144x256xf32, #tpu.memory_space<hbm>> -> memref<96x256xf32, #tpu.memory_space<hbm>>
    %dma_start3A_95 = arith.constant 0 : i32
    %dma_start3A_96 = arith.constant 0 : i32
    %dma_start3A_97 = tpu.memref_slice %arg6[%dma_start3A_86, %dma_start3A_95, %dma_start3A_96] : memref<2x96x256xf32, #tpu.memory_space<vmem>> -> memref<1x96x256xf32, #tpu.memory_space<vmem>>
    %dma_start3A_98 = tpu.memref_squeeze %dma_start3A_97 : memref<1x96x256xf32, #tpu.memory_space<vmem>> -> memref<96x256xf32, #tpu.memory_space<vmem>>
    tpu.enqueue_dma source(%dma_start3A_98 : memref<96x256xf32, #tpu.memory_space<vmem>>) target(%dma_start3A_94 : memref<96x256xf32, #tpu.memory_space<hbm>>) target_semaphore(%arg9 : memref<!tpu.dma_semaphore, #tpu.memory_space<semaphore_mem>>)
    %dma_wait3A_99 = arith.constant 0 : i32
    %dma_wait3A_100 = arith.constant 0 : i32
    %dma_wait3A_101 = arith.constant 0 : i32
    %dma_wait3A_102 = tpu.memref_slice %arg6[%dma_wait3A_99, %dma_wait3A_100, %dma_wait3A_101] : memref<2x96x256xf32, #tpu.memory_space<vmem>> -> memref<1x96x256xf32, #tpu.memory_space<vmem>>
    %dma_wait3A_103 = tpu.memref_squeeze %dma_wait3A_102 : memref<1x96x256xf32, #tpu.memory_space<vmem>> -> memref<96x256xf32, #tpu.memory_space<vmem>>
    %dma_wait3A_104 = arith.constant 0 : i32
    %dma_wait3A_105 = tpu.memref_slice %arg4[%add3A_37, %dma_wait3A_104] : memref<6144x256xf32, #tpu.memory_space<hbm>> -> memref<96x256xf32, #tpu.memory_space<hbm>>
    %dma_wait3A_106 = arith.constant 0 : i32
    %dma_wait3A_107 = tpu.memref_slice %arg4[%add3A_37, %dma_wait3A_106] : memref<6144x256xf32, #tpu.memory_space<hbm>> -> memref<96x256xf32, #tpu.memory_space<hbm>>
    %dma_wait3A_108 = arith.constant 0 : i32
    %dma_wait3A_109 = arith.constant 0 : i32
    %dma_wait3A_110 = tpu.memref_slice %arg6[%dma_wait3A_99, %dma_wait3A_108, %dma_wait3A_109] : memref<2x96x256xf32, #tpu.memory_space<vmem>> -> memref<1x96x256xf32, #tpu.memory_space<vmem>>
    %dma_wait3A_111 = tpu.memref_squeeze %dma_wait3A_110 : memref<1x96x256xf32, #tpu.memory_space<vmem>> -> memref<96x256xf32, #tpu.memory_space<vmem>>
    tpu.wait_dma2 semaphore(%arg9 : memref<!tpu.dma_semaphore, #tpu.memory_space<semaphore_mem>>) src(%dma_wait3A_111 : memref<96x256xf32, #tpu.memory_space<vmem>>) dst(%dma_wait3A_107 : memref<96x256xf32, #tpu.memory_space<hbm>>)
    %dma_wait3A_112 = arith.constant 1 : i32
    %dma_wait3A_113 = arith.constant 0 : i32
    %dma_wait3A_114 = arith.constant 0 : i32
    %dma_wait3A_115 = tpu.memref_slice %arg6[%dma_wait3A_112, %dma_wait3A_113, %dma_wait3A_114] : memref<2x96x256xf32, #tpu.memory_space<vmem>> -> memref<1x96x256xf32, #tpu.memory_space<vmem>>
    %dma_wait3A_116 = tpu.memref_squeeze %dma_wait3A_115 : memref<1x96x256xf32, #tpu.memory_space<vmem>> -> memref<96x256xf32, #tpu.memory_space<vmem>>
    %dma_wait3A_117 = arith.constant 0 : i32
    %dma_wait3A_118 = tpu.memref_slice %arg4[%add3A_85, %dma_wait3A_117] : memref<6144x256xf32, #tpu.memory_space<hbm>> -> memref<96x256xf32, #tpu.memory_space<hbm>>
    %dma_wait3A_119 = arith.constant 0 : i32
    %dma_wait3A_120 = tpu.memref_slice %arg4[%add3A_85, %dma_wait3A_119] : memref<6144x256xf32, #tpu.memory_space<hbm>> -> memref<96x256xf32, #tpu.memory_space<hbm>>
    %dma_wait3A_121 = arith.constant 0 : i32
    %dma_wait3A_122 = arith.constant 0 : i32
    %dma_wait3A_123 = tpu.memref_slice %arg6[%dma_wait3A_112, %dma_wait3A_121, %dma_wait3A_122] : memref<2x96x256xf32, #tpu.memory_space<vmem>> -> memref<1x96x256xf32, #tpu.memory_space<vmem>>
    %dma_wait3A_124 = tpu.memref_squeeze %dma_wait3A_123 : memref<1x96x256xf32, #tpu.memory_space<vmem>> -> memref<96x256xf32, #tpu.memory_space<vmem>>
    tpu.wait_dma2 semaphore(%arg9 : memref<!tpu.dma_semaphore, #tpu.memory_space<semaphore_mem>>) src(%dma_wait3A_124 : memref<96x256xf32, #tpu.memory_space<vmem>>) dst(%dma_wait3A_120 : memref<96x256xf32, #tpu.memory_space<hbm>>)
    return
  }
}

module attributes {stable_mosaic.version = 14 : i64} {
  func.func @_rnn_seg1_body(%arg0: i32, %arg1: memref<2048x256xf32, #tpu.memory_space<vmem>>, %arg2: memref<1024x256xbf16, #tpu.memory_space<vmem>>, %arg3: memref<1024x1024xbf16, #tpu.memory_space<vmem>>, %arg4: memref<1x1024xf32, #tpu.memory_space<vmem>>, %arg5: memref<1024x1024xbf16, #tpu.memory_space<vmem>>, %arg6: memref<1024x1024xbf16, #tpu.memory_space<vmem>>) attributes {dimension_semantics = [#tpu.dimension_semantics<arbitrary>], iteration_bounds = array<i64: 3>, scalar_prefetch = 0 : i64, scratch_operands = 1 : i64, tpu.core_type = #tpu.core_type<tc>, window_params = [{transform_indices = @transform_0, window_bounds = array<i64: 2048, 256>}, {pipeline_mode = #tpu.pipeline_mode<synchronous>, transform_indices = @transform_1, window_bounds = array<i64: 1024, 256>}, {pipeline_mode = #tpu.pipeline_mode<synchronous>, transform_indices = @transform_2, window_bounds = array<i64: 1024, 1024>}, {pipeline_mode = #tpu.pipeline_mode<synchronous>, transform_indices = @transform_3, window_bounds = array<i64: 1, 1024>}, {pipeline_mode = #tpu.pipeline_mode<synchronous>, transform_indices = @transform_4, window_bounds = array<i64: 1024, 1024>}]} {
    %gt3A = arith.constant 0 : i32
    %gt3A_0 = arith.cmpi sgt, %arg0, %gt3A : i32
    %get3A = arith.constant 0 : index
    %get3A_1 = arith.constant 0 : index
    %get3A_2 = vector.load %arg6[%get3A, %get3A_1] : memref<1024x1024xbf16, #tpu.memory_space<vmem>>, vector<1024x1024xbf16>
    %broadcast_in_dim3A = arith.constant 0.000000e+00 : bf16
    %broadcast_in_dim3A_3 = vector.broadcast %broadcast_in_dim3A : bf16 to vector<1024x1024xbf16>
    %select_n3A = arith.select %gt3A_0, %get3A_2, %broadcast_in_dim3A_3 : vector<1024x1024xbf16>
    %get3A_4 = arith.constant 0 : index
    %get3A_5 = arith.constant 0 : index
    %get3A_6 = vector.load %arg1[%get3A_4, %get3A_5] : memref<2048x256xf32, #tpu.memory_space<vmem>>, vector<1024x256xf32>
    %convert_element_type3A = arith.truncf %get3A_6 : vector<1024x256xf32> to vector<1024x256xbf16>
    %get3A_7 = arith.constant 0 : index
    %get3A_8 = arith.constant 0 : index
    %get3A_9 = vector.load %arg2[%get3A_7, %get3A_8] : memref<1024x256xbf16, #tpu.memory_space<vmem>>, vector<1024x256xbf16>
    %dot_general3A = arith.constant dense<0.000000e+00> : vector<1024x1024xf32>
    %dot_general3A_10 = tpu.matmul %convert_element_type3A, %get3A_9, %dot_general3A {dimension_numbers = #tpu.dot_dimension_numbers<[1], [1], [0], [0], [0, 0, 1, 0], [], []>, transpose_lhs_hint = false} : vector<1024x256xbf16>, vector<1024x256xbf16>, vector<1024x1024xf32> -> vector<1024x1024xf32>
    %get3A_11 = arith.constant 0 : index
    %get3A_12 = arith.constant 0 : index
    %get3A_13 = vector.load %arg3[%get3A_11, %get3A_12] : memref<1024x1024xbf16, #tpu.memory_space<vmem>>, vector<1024x1024xbf16>
    %dot_general3A_14 = arith.constant dense<0.000000e+00> : vector<1024x1024xf32>
    %dot_general3A_15 = tpu.matmul %select_n3A, %get3A_13, %dot_general3A_14 {dimension_numbers = #tpu.dot_dimension_numbers<[1], [1], [0], [0], [0, 0, 1, 0], [], []>, transpose_lhs_hint = false} : vector<1024x1024xbf16>, vector<1024x1024xbf16>, vector<1024x1024xf32> -> vector<1024x1024xf32>
    %add3A = arith.addf %dot_general3A_10, %dot_general3A_15 : vector<1024x1024xf32>
    %get3A_16 = arith.constant 0 : index
    %get3A_17 = arith.constant 0 : index
    %get3A_18 = vector.load %arg4[%get3A_16, %get3A_17] : memref<1x1024xf32, #tpu.memory_space<vmem>>, vector<1x1024xf32>
    %add3A_19 = vector.broadcast %get3A_18 : vector<1x1024xf32> to vector<1024x1024xf32>
    %add3A_20 = arith.addf %add3A, %add3A_19 : vector<1024x1024xf32>
    %tanh3A = math.tanh %add3A_20 : vector<1024x1024xf32>
    %convert_element_type3A_21 = arith.truncf %tanh3A : vector<1024x1024xf32> to vector<1024x1024xbf16>
    %get3A_22 = arith.constant 1024 : index
    %get3A_23 = arith.constant 0 : index
    %get3A_24 = vector.load %arg1[%get3A_22, %get3A_23] : memref<2048x256xf32, #tpu.memory_space<vmem>>, vector<1024x256xf32>
    %convert_element_type3A_25 = arith.truncf %get3A_24 : vector<1024x256xf32> to vector<1024x256xbf16>
    %get3A_26 = arith.constant 0 : index
    %get3A_27 = arith.constant 0 : index
    %get3A_28 = vector.load %arg2[%get3A_26, %get3A_27] : memref<1024x256xbf16, #tpu.memory_space<vmem>>, vector<1024x256xbf16>
    %dot_general3A_29 = arith.constant dense<0.000000e+00> : vector<1024x1024xf32>
    %dot_general3A_30 = tpu.matmul %convert_element_type3A_25, %get3A_28, %dot_general3A_29 {dimension_numbers = #tpu.dot_dimension_numbers<[1], [1], [0], [0], [0, 0, 1, 0], [], []>, transpose_lhs_hint = false} : vector<1024x256xbf16>, vector<1024x256xbf16>, vector<1024x1024xf32> -> vector<1024x1024xf32>
    %get3A_31 = arith.constant 0 : index
    %get3A_32 = arith.constant 0 : index
    %get3A_33 = vector.load %arg3[%get3A_31, %get3A_32] : memref<1024x1024xbf16, #tpu.memory_space<vmem>>, vector<1024x1024xbf16>
    %dot_general3A_34 = arith.constant dense<0.000000e+00> : vector<1024x1024xf32>
    %dot_general3A_35 = tpu.matmul %convert_element_type3A_21, %get3A_33, %dot_general3A_34 {dimension_numbers = #tpu.dot_dimension_numbers<[1], [1], [0], [0], [0, 0, 1, 0], [], []>, transpose_lhs_hint = false} : vector<1024x1024xbf16>, vector<1024x1024xbf16>, vector<1024x1024xf32> -> vector<1024x1024xf32>
    %add3A_36 = arith.addf %dot_general3A_30, %dot_general3A_35 : vector<1024x1024xf32>
    %get3A_37 = arith.constant 0 : index
    %get3A_38 = arith.constant 0 : index
    %get3A_39 = vector.load %arg4[%get3A_37, %get3A_38] : memref<1x1024xf32, #tpu.memory_space<vmem>>, vector<1x1024xf32>
    %add3A_40 = vector.broadcast %get3A_39 : vector<1x1024xf32> to vector<1024x1024xf32>
    %add3A_41 = arith.addf %add3A_36, %add3A_40 : vector<1024x1024xf32>
    %tanh3A_42 = math.tanh %add3A_41 : vector<1024x1024xf32>
    %convert_element_type3A_43 = arith.truncf %tanh3A_42 : vector<1024x1024xf32> to vector<1024x1024xbf16>
    %swap3A = arith.constant 0 : index
    %swap3A_44 = arith.constant 0 : index
    %swap3A_45 = vector.load %arg6[%swap3A, %swap3A_44] : memref<1024x1024xbf16, #tpu.memory_space<vmem>>, vector<1024x1024xbf16>
    tpu.vector_store %arg6[%swap3A, %swap3A_44], %convert_element_type3A_43 {strides = array<i32>} : memref<1024x1024xbf16, #tpu.memory_space<vmem>>, vector<1024x1024xbf16>,
    %eq3A = arith.constant 2 : i32
    %eq3A_46 = arith.cmpi eq, %arg0, %eq3A : i32
    %convert_element_type3A_47 = arith.extui %eq3A_46 : i1 to i32
    %cond3A = arith.constant 0 : i32
    %cond3A_48 = arith.cmpi ne, %convert_element_type3A_47, %cond3A : i32
    scf.if %cond3A_48 {
      %swap3A_49 = arith.constant 0 : index
      %swap3A_50 = arith.constant 0 : index
      %swap3A_51 = vector.load %arg5[%swap3A_49, %swap3A_50] : memref<1024x1024xbf16, #tpu.memory_space<vmem>>, vector<1024x1024xbf16>
      tpu.vector_store %arg5[%swap3A_49, %swap3A_50], %convert_element_type3A_43 {strides = array<i32>} : memref<1024x1024xbf16, #tpu.memory_space<vmem>>, vector<1024x1024xbf16>,
    } else {
    }
    return
  }
  func.func @transform_0(%arg0: i32) -> (i32, i32) {
    %c0_i32 = arith.constant 0 : i32
    %c0_i32_0 = arith.constant 0 : i32
    return %arg0, %c0_i32 : i32, i32
  }
  func.func @transform_1(%arg0: i32) -> (i32, i32) {
    %c0_i32 = arith.constant 0 : i32
    %c0_i32_0 = arith.constant 0 : i32
    %c0_i32_1 = arith.constant 0 : i32
    return %c0_i32, %c0_i32_0 : i32, i32
  }
  func.func @transform_2(%arg0: i32) -> (i32, i32) {
    %c0_i32 = arith.constant 0 : i32
    %c0_i32_0 = arith.constant 0 : i32
    %c0_i32_1 = arith.constant 0 : i32
    return %c0_i32, %c0_i32_0 : i32, i32
  }
  func.func @transform_3(%arg0: i32) -> (i32, i32) {
    %c0_i32 = arith.constant 0 : i32
    %c0_i32_0 = arith.constant 0 : i32
    %c0_i32_1 = arith.constant 0 : i32
    return %c0_i32, %c0_i32_0 : i32, i32
  }
  func.func @transform_4(%arg0: i32) -> (i32, i32) {
    %c0_i32 = arith.constant 0 : i32
    %c0_i32_0 = arith.constant 0 : i32
    %c0_i32_1 = arith.constant 0 : i32
    return %c0_i32, %c0_i32_0 : i32, i32
  }
}

module attributes {stable_mosaic.version = 14 : i64} {
  func.func @_rnn_seg2_body(%arg0: i32, %arg1: memref<2048x256xf32, #tpu.memory_space<vmem>>, %arg2: memref<1024x1024xbf16, #tpu.memory_space<vmem>>, %arg3: memref<1024x256xbf16, #tpu.memory_space<vmem>>, %arg4: memref<1024x1024xbf16, #tpu.memory_space<vmem>>, %arg5: memref<1x1024xf32, #tpu.memory_space<vmem>>, %arg6: memref<128x1024xf32, #tpu.memory_space<vmem>>, %arg7: memref<1x128xf32, #tpu.memory_space<vmem>>, %arg8: memref<128x128xf32, #tpu.memory_space<vmem>>, %arg9: memref<1x128xf32, #tpu.memory_space<vmem>>, %arg10: memref<1024x2xf32, #tpu.memory_space<vmem>>, %arg11: memref<1024x1024xbf16, #tpu.memory_space<vmem>>) attributes {dimension_semantics = [#tpu.dimension_semantics<arbitrary>], iteration_bounds = array<i64: 7>, scalar_prefetch = 0 : i64, scratch_operands = 1 : i64, tpu.core_type = #tpu.core_type<tc>, window_params = [{transform_indices = @transform_0, window_bounds = array<i64: 2048, 256>}, {pipeline_mode = #tpu.pipeline_mode<synchronous>, transform_indices = @transform_1, window_bounds = array<i64: 1024, 1024>}, {pipeline_mode = #tpu.pipeline_mode<synchronous>, transform_indices = @transform_2, window_bounds = array<i64: 1024, 256>}, {pipeline_mode = #tpu.pipeline_mode<synchronous>, transform_indices = @transform_3, window_bounds = array<i64: 1024, 1024>}, {pipeline_mode = #tpu.pipeline_mode<synchronous>, transform_indices = @transform_4, window_bounds = array<i64: 1, 1024>}, {pipeline_mode = #tpu.pipeline_mode<synchronous>, transform_indices = @transform_5, window_bounds = array<i64: 128, 1024>}, {pipeline_mode = #tpu.pipeline_mode<synchronous>, transform_indices = @transform_6, window_bounds = array<i64: 1, 128>}, {pipeline_mode = #tpu.pipeline_mode<synchronous>, transform_indices = @transform_7, window_bounds = array<i64: 128, 128>}, {pipeline_mode = #tpu.pipeline_mode<synchronous>, transform_indices = @transform_8, window_bounds = array<i64: 1, 128>}, {pipeline_mode = #tpu.pipeline_mode<synchronous>, transform_indices = @transform_9, window_bounds = array<i64: 1024, 2>}]} {
    %gt3A = arith.constant 0 : i32
    %gt3A_0 = arith.cmpi sgt, %arg0, %gt3A : i32
    %get3A = arith.constant 0 : index
    %get3A_1 = arith.constant 0 : index
    %get3A_2 = vector.load %arg11[%get3A, %get3A_1] : memref<1024x1024xbf16, #tpu.memory_space<vmem>>, vector<1024x1024xbf16>
    %get3A_3 = arith.constant 0 : index
    %get3A_4 = arith.constant 0 : index
    %get3A_5 = vector.load %arg2[%get3A_3, %get3A_4] : memref<1024x1024xbf16, #tpu.memory_space<vmem>>, vector<1024x1024xbf16>
    %select_n3A = arith.select %gt3A_0, %get3A_2, %get3A_5 : vector<1024x1024xbf16>
    %get3A_6 = arith.constant 0 : index
    %get3A_7 = arith.constant 0 : index
    %get3A_8 = vector.load %arg1[%get3A_6, %get3A_7] : memref<2048x256xf32, #tpu.memory_space<vmem>>, vector<1024x256xf32>
    %convert_element_type3A = arith.truncf %get3A_8 : vector<1024x256xf32> to vector<1024x256xbf16>
    %get3A_9 = arith.constant 0 : index
    %get3A_10 = arith.constant 0 : index
    %get3A_11 = vector.load %arg3[%get3A_9, %get3A_10] : memref<1024x256xbf16, #tpu.memory_space<vmem>>, vector<1024x256xbf16>
    %dot_general3A = arith.constant dense<0.000000e+00> : vector<1024x1024xf32>
    %dot_general3A_12 = tpu.matmul %convert_element_type3A, %get3A_11, %dot_general3A {dimension_numbers = #tpu.dot_dimension_numbers<[1], [1], [0], [0], [0, 0, 1, 0], [], []>, transpose_lhs_hint = false} : vector<1024x256xbf16>, vector<1024x256xbf16>, vector<1024x1024xf32> -> vector<1024x1024xf32>
    %get3A_13 = arith.constant 0 : index
    %get3A_14 = arith.constant 0 : index
    %get3A_15 = vector.load %arg4[%get3A_13, %get3A_14] : memref<1024x1024xbf16, #tpu.memory_space<vmem>>, vector<1024x1024xbf16>
    %dot_general3A_16 = arith.constant dense<0.000000e+00> : vector<1024x1024xf32>
    %dot_general3A_17 = tpu.matmul %select_n3A, %get3A_15, %dot_general3A_16 {dimension_numbers = #tpu.dot_dimension_numbers<[1], [1], [0], [0], [0, 0, 1, 0], [], []>, transpose_lhs_hint = false} : vector<1024x1024xbf16>, vector<1024x1024xbf16>, vector<1024x1024xf32> -> vector<1024x1024xf32>
    %add3A = arith.addf %dot_general3A_12, %dot_general3A_17 : vector<1024x1024xf32>
    %get3A_18 = arith.constant 0 : index
    %get3A_19 = arith.constant 0 : index
    %get3A_20 = vector.load %arg5[%get3A_18, %get3A_19] : memref<1x1024xf32, #tpu.memory_space<vmem>>, vector<1x1024xf32>
    %add3A_21 = vector.broadcast %get3A_20 : vector<1x1024xf32> to vector<1024x1024xf32>
    %add3A_22 = arith.addf %add3A, %add3A_21 : vector<1024x1024xf32>
    %tanh3A = math.tanh %add3A_22 : vector<1024x1024xf32>
    %convert_element_type3A_23 = arith.truncf %tanh3A : vector<1024x1024xf32> to vector<1024x1024xbf16>
    %get3A_24 = arith.constant 1024 : index
    %get3A_25 = arith.constant 0 : index
    %get3A_26 = vector.load %arg1[%get3A_24, %get3A_25] : memref<2048x256xf32, #tpu.memory_space<vmem>>, vector<1024x256xf32>
    %convert_element_type3A_27 = arith.truncf %get3A_26 : vector<1024x256xf32> to vector<1024x256xbf16>
    %get3A_28 = arith.constant 0 : index
    %get3A_29 = arith.constant 0 : index
    %get3A_30 = vector.load %arg3[%get3A_28, %get3A_29] : memref<1024x256xbf16, #tpu.memory_space<vmem>>, vector<1024x256xbf16>
    %dot_general3A_31 = arith.constant dense<0.000000e+00> : vector<1024x1024xf32>
    %dot_general3A_32 = tpu.matmul %convert_element_type3A_27, %get3A_30, %dot_general3A_31 {dimension_numbers = #tpu.dot_dimension_numbers<[1], [1], [0], [0], [0, 0, 1, 0], [], []>, transpose_lhs_hint = false} : vector<1024x256xbf16>, vector<1024x256xbf16>, vector<1024x1024xf32> -> vector<1024x1024xf32>
    %get3A_33 = arith.constant 0 : index
    %get3A_34 = arith.constant 0 : index
    %get3A_35 = vector.load %arg4[%get3A_33, %get3A_34] : memref<1024x1024xbf16, #tpu.memory_space<vmem>>, vector<1024x1024xbf16>
    %dot_general3A_36 = arith.constant dense<0.000000e+00> : vector<1024x1024xf32>
    %dot_general3A_37 = tpu.matmul %convert_element_type3A_23, %get3A_35, %dot_general3A_36 {dimension_numbers = #tpu.dot_dimension_numbers<[1], [1], [0], [0], [0, 0, 1, 0], [], []>, transpose_lhs_hint = false} : vector<1024x1024xbf16>, vector<1024x1024xbf16>, vector<1024x1024xf32> -> vector<1024x1024xf32>
    %add3A_38 = arith.addf %dot_general3A_32, %dot_general3A_37 : vector<1024x1024xf32>
    %get3A_39 = arith.constant 0 : index
    %get3A_40 = arith.constant 0 : index
    %get3A_41 = vector.load %arg5[%get3A_39, %get3A_40] : memref<1x1024xf32, #tpu.memory_space<vmem>>, vector<1x1024xf32>
    %add3A_42 = vector.broadcast %get3A_41 : vector<1x1024xf32> to vector<1024x1024xf32>
    %add3A_43 = arith.addf %add3A_38, %add3A_42 : vector<1024x1024xf32>
    %tanh3A_44 = math.tanh %add3A_43 : vector<1024x1024xf32>
    %convert_element_type3A_45 = arith.truncf %tanh3A_44 : vector<1024x1024xf32> to vector<1024x1024xbf16>
    %swap3A = arith.constant 0 : index
    %swap3A_46 = arith.constant 0 : index
    %swap3A_47 = vector.load %arg11[%swap3A, %swap3A_46] : memref<1024x1024xbf16, #tpu.memory_space<vmem>>, vector<1024x1024xbf16>
    tpu.vector_store %arg11[%swap3A, %swap3A_46], %convert_element_type3A_45 {strides = array<i32>} : memref<1024x1024xbf16, #tpu.memory_space<vmem>>, vector<1024x1024xbf16>,
    %eq3A = arith.constant 6 : i32
    %eq3A_48 = arith.cmpi eq, %arg0, %eq3A : i32
    %convert_element_type3A_49 = arith.extui %eq3A_48 : i1 to i32
    %cond3A = arith.constant 0 : i32
    %cond3A_50 = arith.cmpi ne, %convert_element_type3A_49, %cond3A : i32
    scf.if %cond3A_50 {
      %get3A_51 = arith.constant 0 : index
      %get3A_52 = arith.constant 0 : index
      %get3A_53 = vector.load %arg6[%get3A_51, %get3A_52] : memref<128x1024xf32, #tpu.memory_space<vmem>>, vector<128x1024xf32>
      %dot_general3A_54 = arith.constant dense<0.000000e+00> : vector<1024x128xf32>
      %dot_general3A_55 = tpu.matmul %tanh3A_44, %get3A_53, %dot_general3A_54 {dimension_numbers = #tpu.dot_dimension_numbers<[1], [1], [0], [0], [0, 0, 1, 0], [], []>, transpose_lhs_hint = false} : vector<1024x1024xf32>, vector<128x1024xf32>, vector<1024x128xf32> -> vector<1024x128xf32>
      %get3A_56 = arith.constant 0 : index
      %get3A_57 = arith.constant 0 : index
      %get3A_58 = vector.load %arg7[%get3A_56, %get3A_57] : memref<1x128xf32, #tpu.memory_space<vmem>>, vector<1x128xf32>
      %add3A_59 = vector.broadcast %get3A_58 : vector<1x128xf32> to vector<1024x128xf32>
      %add3A_60 = arith.addf %dot_general3A_55, %add3A_59 : vector<1024x128xf32>
      %max3A = arith.constant 0.000000e+00 : f32
      %max3A_61 = vector.broadcast %max3A : f32 to vector<1024x128xf32>
      %max3A_62 = arith.maximumf %add3A_60, %max3A_61 : vector<1024x128xf32>
      %get3A_63 = arith.constant 0 : index
      %get3A_64 = arith.constant 0 : index
      %get3A_65 = vector.load %arg8[%get3A_63, %get3A_64] : memref<128x128xf32, #tpu.memory_space<vmem>>, vector<128x128xf32>
      %dot_general3A_66 = arith.constant dense<0.000000e+00> : vector<1024x128xf32>
      %dot_general3A_67 = tpu.matmul %max3A_62, %get3A_65, %dot_general3A_66 {dimension_numbers = #tpu.dot_dimension_numbers<[1], [1], [0], [0], [0, 0, 1, 0], [], []>, transpose_lhs_hint = false} : vector<1024x128xf32>, vector<128x128xf32>, vector<1024x128xf32> -> vector<1024x128xf32>
      %get3A_68 = arith.constant 0 : index
      %get3A_69 = arith.constant 0 : index
      %get3A_70 = vector.load %arg9[%get3A_68, %get3A_69] : memref<1x128xf32, #tpu.memory_space<vmem>>, vector<1x128xf32>
      %add3A_71 = vector.broadcast %get3A_70 : vector<1x128xf32> to vector<1024x128xf32>
      %add3A_72 = arith.addf %dot_general3A_67, %add3A_71 : vector<1024x128xf32>
      %reduce_max3A = arith.constant dense<0xFF800000> : vector<1024xf32>
      %reduce_max3A_73 = vector.multi_reduction <maximumf>, %add3A_72, %reduce_max3A [1] : vector<1024x128xf32> to vector<1024xf32>
      %broadcast_in_dim3A = vector.shape_cast %reduce_max3A_73 : vector<1024xf32> to vector<1024x1xf32>
      %sub3A = vector.broadcast %broadcast_in_dim3A : vector<1024x1xf32> to vector<1024x128xf32>
      %sub3A_74 = arith.subf %add3A_72, %sub3A : vector<1024x128xf32>
      %exp3A = math.exp %sub3A_74 : vector<1024x128xf32>
      %reduce_sum3A = arith.constant dense<0.000000e+00> : vector<1024xf32>
      %reduce_sum3A_75 = vector.multi_reduction <add>, %exp3A, %reduce_sum3A [1] : vector<1024x128xf32> to vector<1024xf32>
      %broadcast_in_dim3A_76 = vector.shape_cast %reduce_sum3A_75 : vector<1024xf32> to vector<1024x1xf32>
      %div3A = vector.broadcast %broadcast_in_dim3A_76 : vector<1024x1xf32> to vector<1024x128xf32>
      %div3A_77 = arith.divf %exp3A, %div3A : vector<1024x128xf32>
      %slice3A = vector.extract_strided_slice %div3A_77 {offsets = [0, 0], sizes = [1024, 2], strides = [1, 1]} : vector<1024x128xf32> to vector<1024x2xf32>
      %swap3A_78 = arith.constant 0 : index
      %swap3A_79 = arith.constant 0 : index
      %swap3A_80 = vector.load %arg10[%swap3A_78, %swap3A_79] : memref<1024x2xf32, #tpu.memory_space<vmem>>, vector<1024x2xf32>
      tpu.vector_store %arg10[%swap3A_78, %swap3A_79], %slice3A {strides = array<i32>} : memref<1024x2xf32, #tpu.memory_space<vmem>>, vector<1024x2xf32>,
    } else {
    }
    return
  }
  func.func @transform_0(%arg0: i32) -> (i32, i32) {
    %c0_i32 = arith.constant 0 : i32
    %c0_i32_0 = arith.constant 0 : i32
    return %arg0, %c0_i32 : i32, i32
  }
  func.func @transform_1(%arg0: i32) -> (i32, i32) {
    %c0_i32 = arith.constant 0 : i32
    %c0_i32_0 = arith.constant 0 : i32
    %c0_i32_1 = arith.constant 0 : i32
    return %c0_i32, %c0_i32_0 : i32, i32
  }
  func.func @transform_2(%arg0: i32) -> (i32, i32) {
    %c0_i32 = arith.constant 0 : i32
    %c0_i32_0 = arith.constant 0 : i32
    %c0_i32_1 = arith.constant 0 : i32
    return %c0_i32, %c0_i32_0 : i32, i32
  }
  func.func @transform_3(%arg0: i32) -> (i32, i32) {
    %c0_i32 = arith.constant 0 : i32
    %c0_i32_0 = arith.constant 0 : i32
    %c0_i32_1 = arith.constant 0 : i32
    return %c0_i32, %c0_i32_0 : i32, i32
  }
  func.func @transform_4(%arg0: i32) -> (i32, i32) {
    %c0_i32 = arith.constant 0 : i32
    %c0_i32_0 = arith.constant 0 : i32
    %c0_i32_1 = arith.constant 0 : i32
    return %c0_i32, %c0_i32_0 : i32, i32
  }
  func.func @transform_5(%arg0: i32) -> (i32, i32) {
    %c0_i32 = arith.constant 0 : i32
    %c0_i32_0 = arith.constant 0 : i32
    %c0_i32_1 = arith.constant 0 : i32
    return %c0_i32, %c0_i32_0 : i32, i32
  }
  func.func @transform_6(%arg0: i32) -> (i32, i32) {
    %c0_i32 = arith.constant 0 : i32
    %c0_i32_0 = arith.constant 0 : i32
    %c0_i32_1 = arith.constant 0 : i32
    return %c0_i32, %c0_i32_0 : i32, i32
  }
  func.func @transform_7(%arg0: i32) -> (i32, i32) {
    %c0_i32 = arith.constant 0 : i32
    %c0_i32_0 = arith.constant 0 : i32
    %c0_i32_1 = arith.constant 0 : i32
    return %c0_i32, %c0_i32_0 : i32, i32
  }
  func.func @transform_8(%arg0: i32) -> (i32, i32) {
    %c0_i32 = arith.constant 0 : i32
    %c0_i32_0 = arith.constant 0 : i32
    %c0_i32_1 = arith.constant 0 : i32
    return %c0_i32, %c0_i32_0 : i32, i32
  }
  func.func @transform_9(%arg0: i32) -> (i32, i32) {
    %c0_i32 = arith.constant 0 : i32
    %c0_i32_0 = arith.constant 0 : i32
    %c0_i32_1 = arith.constant 0 : i32
    return %c0_i32, %c0_i32_0 : i32, i32
  }
}

</mosaic_0001>

<sc_bundles>
// kernel: kernel.6.cloned.1.call-start
scs
__scs_entry_jumppad:
0x0: {  	(pc) =	sbr.rel $0x88, $3  }
0x1: {  	(tag) =	ssettag $0x0;
	lr =	simm.s32 $0x1  }
0x2: {  	[smem:$0x3F97] =	sst lr;
	_ =	strace $0xD0000000  }
0x3: {  	_ = 	snop  }
0x4: {  	_ = 	snop  }
0x5: {  	_ = 	snop  }
0x6: {  	_ = 	snop  }
0x7: {  	_ = 	snop  }
__scs_overlays_trampoline_lowered:
0x8: {  	[smem:$0x3FA6] =	sst s0  }
0x9: {  	[smem:$0x3FA7] =	sst s1  }
0xa: {  	[smem:$0x3FA8] =	sst s2  }
0xb: {  	[smem:$0x3FA9] =	sst s3  }
0xc: {  	[smem:$0x3FAA] =	sst s4  }
0xd: {  	[smem:$0x3FAB] =	sst s5  }
0xe: {  	[smem:$0x3FAC] =	sst s6  }
0xf: {  	[smem:$0x3FAD] =	sst s7  }
0x10: {  	[smem:$0x3FAE] =	sst s8  }
0x11: {  	[smem:$0x3FAF] =	sst s9;
	s0 =	simm.s32 @!p0 $0x0  }
0x12: {  	s1 =	sld [smem:$0x3F95];
	s0 =	simm.s32 @p0 $0x1  }
0x13: {  	[smem:$0x3FB0] =	sst s0;
	s0 =	simm.s32 @!p1 $0x0  }
0x14: {  	s2 =	sld [smem:$0x3F94];
	s0 =	simm.s32 @p1 $0x1  }
0x15: {  	[smem:$0x3FB1] =	sst s0;
	s0 =	simm.s32 @!p2 $0x0  }
0x16: {  	s3 =	sld [smem:$0x3FDB];
	s0 =	simm.s32 @p2 $0x1  }
0x17: {  	s4 =	simm.s32 $0x1BF5;
	[smem:$0x3FB3] =	sst s0  }
0x18: {  	s0 =	sld [smem:$0x3F96];
	_ =	swait.ge [sflag:s4], $0x0  }
0x19: {  	s7 =	sld [smem:$0x3F97]  }
0x1a: {  	s8 =	sadd.s32 $0xFFFFE003, lr  }
0x1b: {  	s9 =	sadd.s32 $0xFFFFFEF7, lr;
	s5 =	simm.s32 $0xFFFFFFFF;
	p2 =	slt.u32 s8, $0xFFFFF086  }
0x1c: {  	p1 =	slt.u32 s9, $0xF7A;
	s5 =	simm.s32 @!p2 $0x0  }
0x1d: {  	s5 =	simm.s32 @p1 $0x1;
	p0 =	seq.s32 s7, s2  }
0x1e: {  	s7 =	smul.u32 @!p0 $0xF7A, s2;
	p2 =	seq.s32 @!p0 s5, $0x0  }
0x1f: {  	s9 =	smul.u32 $0xF7A, s1;
	s8 =	simm.s32 @!p0 $0x1BF5;
	p2 =	por !p2, p0  }
0x20: {  	[sflag:s8] =	ssyncset.s32 @!p0 $0xFFFFF086;
	s6 =	sadd.s32 @!p0 s3, s7;
	s7 =	simm.s32 @!p0 $0x108  }
0x21: {  	s3 =	sadd.s32 s3, s9;
	s6 =	sadd.s32 @!p0 $0x88, s6;
	s7 =	simm.s32 @p2 $0x1082  }
0x22: {  	[simem:s7], [sflag:s8] =	dma.local @!p0 [hbm:s6], $0xF7A  }
0x23: {  	s9 =	sor.u32 $0xD0000000, s2;
	s6 =	simm.s32 $0x108;
	_ =	swait.ge @!p0 [sflag:s8], $0x0  }
0x24: {  	s3 =	sadd.s32 $0x88, s3;
	s6 =	simm.s32 @!p1 $0x1082;
	[sflag:s4] =	ssyncset.s32 $0xFFFFF086  }
0x25: {  	[simem:s6], [sflag:s4] =	dma.local [hbm:s3], $0xF7A  }
0x26: {  	[smem:$0x3F97] =	sst s1;
	(tag) =	ssettag s2;
	_ =	strace s9  }
0x27: {  	s1 =	sld [smem:$0x3FA7]  }
0x28: {  	s2 =	sld [smem:$0x3FA8]  }
0x29: {  	s4 =	sld [smem:$0x3FAA]  }
0x2a: {  	p0 =	seq.s32 s5, $0x0;
	s5 =	sld [smem:$0x3FAB]  }
0x2b: {  	s6 =	sld [smem:$0x3FAC]  }
0x2c: {  	s7 =	sld [smem:$0x3FAD]  }
0x2d: {  	s3 =	simm.s32 $0x108;
	s8 =	sld [smem:$0x3FAE]  }
0x2e: {  	s3 =	simm.s32 @!p0 $0x1082;
	s9 =	sld [smem:$0x3FAF]  }
0x2f: {  	lr =	sadd.s32 s0, s3;
	s0 =	sld [smem:$0x3FA6]  }
0x30: {  	s3 =	sld [smem:$0x3FA9]  }
0x31: {  	[smem:$0x3FB2] =	sst s10  }
0x32: {  	s10 =	sld [smem:$0x3FB0];
	_ =	sdelay $0x3  }
0x33: {  	p0 =	seq.s32 s10, $0x1;
	s10 =	sld [smem:$0x3FB2];
	_ =	sdelay $0x3  }
0x34: {  	[smem:$0x3FB2] =	sst s10  }
0x35: {  	s10 =	sld [smem:$0x3FB1];
	_ =	sdelay $0x3  }
0x36: {  	p1 =	seq.s32 s10, $0x1;
	s10 =	sld [smem:$0x3FB2];
	_ =	sdelay $0x3  }
0x37: {  	[smem:$0x3FB2] =	sst s10  }
0x38: {  	s10 =	sld [smem:$0x3FB3]  }
0x39: {  	_ = 	snop;
	(pc) =	sbr.ind lr, $3  }
0x3a: {  	_ = 	snop  }
0x3b: {  	_ = 	snop  }
0x3c: {  	p2 =	seq.s32 s10, $0x1;
	s10 =	sld [smem:$0x3FB2]  }
0x3d: {  	_ =	shalt  }
0x3e: {  	_ =	shalt  }
0x3f: {  	_ =	shalt  }
0x40: {  	_ =	shalt  }
0x41: {  	_ =	shalt  }
0x42: {  	_ =	shalt  }
0x43: {  	_ =	shalt  }
0x44: {  	_ =	shalt  }
0x45: {  	_ =	shalt  }
0x46: {  	_ =	shalt  }
0x47: {  	_ =	shalt  }
0x48: {  	_ =	shalt  }
0x49: {  	_ =	shalt  }
0x4a: {  	_ =	shalt  }
0x4b: {  	_ =	shalt  }
0x4c: {  	_ =	shalt  }
0x4d: {  	_ =	shalt  }
0x4e: {  	_ =	shalt  }
0x4f: {  	_ =	shalt  }
0x50: {  	_ =	shalt  }
0x51: {  	_ =	shalt  }
0x52: {  	_ =	shalt  }
0x53: {  	_ =	shalt  }
0x54: {  	_ =	shalt  }
0x55: {  	_ =	shalt  }
0x56: {  	_ =	shalt  }
0x57: {  	_ =	shalt  }
0x58: {  	_ =	shalt  }
0x59: {  	_ =	shalt  }
0x5a: {  	_ =	shalt  }
0x5b: {  	_ =	shalt  }
0x5c: {  	_ =	shalt  }
0x5d: {  	_ =	shalt  }
0x5e: {  	_ =	shalt  }
0x5f: {  	_ =	shalt  }
0x60: {  	_ =	shalt  }
0x61: {  	_ =	shalt  }
0x62: {  	_ =	shalt  }
0x63: {  	_ =	shalt  }
0x64: {  	_ =	shalt  }
0x65: {  	_ =	shalt  }
0x66: {  	_ =	shalt  }
0x67: {  	_ =	shalt  }
0x68: {  	_ =	shalt  }
0x69: {  	_ =	shalt  }
0x6a: {  	_ =	shalt  }
0x6b: {  	_ =	shalt  }
0x6c: {  	_ =	shalt  }
0x6d: {  	_ =	shalt  }
0x6e: {  	_ =	shalt  }
0x6f: {  	_ =	shalt  }
0x70: {  	_ =	shalt  }
0x71: {  	_ =	shalt  }
0x72: {  	_ =	shalt  }
0x73: {  	_ =	shalt  }
0x74: {  	_ =	shalt  }
0x75: {  	_ =	shalt  }
0x76: {  	_ =	shalt  }
0x77: {  	_ =	shalt  }
0x78: {  	_ =	shalt  }
0x79: {  	_ =	shalt  }
0x7a: {  	_ =	shalt  }
0x7b: {  	_ =	shalt  }
0x7c: {  	_ =	shalt  }
0x7d: {  	_ =	shalt  }
0x7e: {  	_ =	shalt  }
0x7f: {  	_ =	shalt  }
0x80: {  	_ =	shalt  }
0x81: {  	_ =	shalt  }
0x82: {  	_ =	shalt  }
0x83: {  	_ =	shalt  }
0x84: {  	_ =	shalt  }
0x85: {  	_ =	shalt  }
0x86: {  	_ =	shalt  }
0x87: {  	_ =	shalt  }
.Lfunc_end0:
.L_simem_size_0:
called_computation_lowered:
.L_overlay_start_0:
0x88: {  	s2 =	sld [smem:$0x3FD9]  }
0x89: {  	s3 =	sld [smem:$0x3FFE];
	_ =	sdelay $0x1  }
0x8a: {  	s1 =	srdreg.scid  }
0x8b: {  	s0 =	sand.u32 $0x1, s1  }
0x8c: {  	s17 =	sshll.u32 s0, $0xA;
	s2 =	sadd.s32 s3, s2  }
0x8d: {  	s2 =	sadd.s32 s2, s17  }
0x8e: {  	[smem:$0x3FBE] =	sst s2  }
0x8f: {  	_ = 	snop  }
0x90: {  	s2 =	sld [smem:$0x3FC8];
	(tm) =	ssettm $0x1  }
0x91: {  	s18 =	sld [smem:$0x3FFB];
	_ =	sdelay $0x3  }
0x92: {  	_ =	strace s18  }
0x93: {  	s3 =	sld [smem:$0x3FFC];
	_ =	sdelay $0x3  }
0x94: {  	_ =	strace s3  }
0x95: {  	s3 =	sld [smem:$0x3FFD];
	_ =	sdelay $0x3  }
0x96: {  	_ =	strace s3  }
0x97: {  	_ =	strace $0x8FFFFFFF  }
0x98: {  	s19 =	sld [smem:$0x3FDB];
	_ =	sdelay $0x1  }
0x99: {  	s4 =	simm.s32 $_scs_section_size  }
0x9a: {  	s5 =	simm.s32 $_size__tile_overlayer_lowered;
	s6 =	simm.s32 $_tile_overlayer_lowered  }
0x9b: {  	s22 =	simm.s32 $0x1BFF;
	s21 =	sshll.u32 s6, $0x1;
	s3 =	sadd.s32 s4, s19  }
0x9c: {  	s7 =	simm.s32 $0x0;
	s20 =	sshll.u32 s5, $0x1;
	s5 =	sadd.s32 s21, s3  }
0x9d: {  	[timem:s7], [sflag:s22] =	dma.local [hbm:s5], s20  }
0x9e: {  	_ =	swait.ge [sflag:s22], s20  }
0x9f: {  	s4 =	ssub.s32 $0x0, s20;
	[sflag:s22] =	ssyncset.done $0x0  }
0xa0: {  	[sflag:s22] =	ssyncadd.s32 s4;
	_ =	sdelay $0x1  }
0xa1: {  	s23 =	simm.s32 $0x1B8B  }
0xa2: {  	_ =	swait.ge [sflag:s23], $0x1  }
0xa3: {  	[sflag:s23] =	ssyncset.done $0x0  }
0xa4: {  	s25 =	simm.s32 $0x1B8E;
	s24 =	sld [smem:$0x3FFE];
	[sflag:s23] =	ssyncadd.s32 $0xFFFFFFFF  }
0xa5: {  	s26 =	simm.s32 $execute0_lowered;
	[smem:$0x3FD2] =	sst s25  }
0xa6: {  	s5 =	sshll.u32 s26, $0x1;
	_ =	strace $0x80000046;
	[dreg:$0x1] =	wrdreg $0xFFFFFFFF  }
0xa7: {  	s28 =	simm.s32 $_size_execute0_lowered;
	s3 =	sadd.s32 s3, s5;
	[dreg:$0x0] =	wrdreg $0x0  }
0xa8: {  	s5 =	sshll.u32 s28, $0x1;
	[dreg:$0x2] =	wrdreg s3  }
0xa9: {  	[dreg:$0x3] =	wrdreg s5  }
0xaa: {  	[dreg:$0x4] =	wrdreg $0xC0  }
0xab: {  	_ =	task [dreg:s7], $0x5FFFF  }
0xac: {  	[dreg:$0x1] =	wrdreg $0xFFFFFFFF  }
0xad: {  	[dreg:$0x0] =	wrdreg $0x60  }
0xae: {  	[dreg:$0x2] =	wrdreg s2  }
0xaf: {  	[dreg:$0x3] =	wrdreg s24  }
0xb0: {  	[dreg:$0x4] =	wrdreg $0x9  }
0xb1: {  	_ =	task.clear_ibuf [dreg:s7], $0x5FFFF;
	_ =	strace $0x90000046  }
0xb2: {  	s29 =	simm.s32 $0x9;
	_ =	strace $0x80000048  }
0xb3: {  	_ =	swait.ge [sflag:s29], $0x1  }
0xb4: {  	[sflag:s29] =	ssyncadd.s32 $0xFFFFFFFF  }
0xb5: {  	_ =	strace $0x90000048  }
0xb6: {  	_ =	sfence  }
0xb7: {  	s30 =	sld [smem:$0x0];
	_ =	sdelay $0x2  }
0xb8: {  	s31 =	sshll.u32 s1, $0xD;
	s1 =	sshrl.u32 s1, $0x2  }
0xb9: {  	s3 =	sand.u32 $0x4000, s31;
	s1 =	sadd.s32 s1, s30  }
0xba: {  	s0 =	sor.u32 s3, s0;
	s1 =	sshll.u32 s1, $0x11  }
0xbb: {  	s0 =	sor.u32 s1, s0  }
0xbc: {  	s0 =	sadd.s32 $0x8F2B, s0  }
0xbd: {  	[sflag:s0] =	ssyncadd.remote.s32 $0x1  }
0xbe: {  	_ =	sfence.sel $0xFFFF  }
0xbf: {  	[dreg:$0x0] =	wrdreg $0xFFFFFFFF;
	(pc) =	sbr.abs _section_cstart, $3  }
0xc0: {  	[dreg:$0x1] =	wrdreg $0xFFFFFFFF  }
0xc1: {  	_ =	task.clear_ibuf [dreg:s7], $0x2FFFF;
	_ =	strace $0x9FFFFFFF  }
0xc2: {  	(tm) =	ssettm $0x7FFFFFFF  }
0xc3: {  	_ =	shalt  }
tec
execute0_lowered:
.L_overlay_start_1:
0x0: {  	(tag) =	ssettag $0x1  }
0x1: {  	s2 =	rddreg [dreg:$0x0]  }
0x2: {  	s1 =	srdreg.scid;
	s0 =	stileid.u32  }
0x3: {  	s4 =	rddreg [dreg:$0x1];
	s3 =	simm.s32 $0x0;
	s25 =	simm.s32 $0x80  }
0x4: {  	s26 =	simm.s32 $0x900;
	s11 =	simm.s32 $0x3100;
	s12 =	simm.s32 $0x3900  }
0x5: {  	s13 =	simm.s32 $0x4100;
	s14 =	simm.s32 $0x4900;
	s15 =	simm.s32 $0x5100  }
0x6: {  	s16 =	simm.s32 $0x5900;
	s17 =	simm.s32 $0x2;
	s18 =	simm.s32 $0x1  }
0x7: {  	s19 =	simm.s32 $0x6100;
	s20 =	simm.s32 $0x6900;
	s21 =	simm.s32 $0x7100  }
0x8: {  	s22 =	simm.s32 $0x7900;
	s23 =	simm.s32 $0x8100;
	s24 =	simm.s32 $0x8900  }
0x9: {  	s28 =	simm.s32 $0xA100;
	s29 =	simm.s32 $0xA900;
	s30 =	simm.s32 $0xB100  }
0xa: {  	s31 =	simm.s32 $0xB900;
	s1 =	sand.u32 $0x1, s1;
	s5 =	sshll.u32 s0, $0x1  }
0xb: {  	[smem:$0x7FF] =	sst s3;
	s7 =	sadd.s32 $0x1E00, s4;
	s4 =	sadd.s32 $0x2200, s4  }
0xc: {  	s5 =	sor.u32 s1, s5;
	_ =	strace $0x80000047;
	[dreg:$0x7] =	wrdreg s25  }
0xd: {  	s1 =	ssub.s32 $0x2, s1;
	[dreg:$0x8] =	wrdreg s26;
	s6 =	smul.u32 $0xC0, s5  }
0xe: {  	s25 =	simm.s32 $0x9100;
	s5 =	smul.u32 $0x1800, s5;
	s10 =	sshrl.u32 s1, $0x1  }
0xf: {  	s26 =	simm.s32 $0x9900;
	s1 =	ssub.s32 s1, s10;
	s10 =	simm.s32 $0x2900  }
0x10: {  	s8 =	sshrl.u32 s6, $0x3;
	s6 =	sadd.s32 $0x60, s6;
	s5 =	sadd.s32 s4, s5  }
0x11: {  	s8 =	sadd.s32 s7, s8;
	s9 =	sshrl.u32 s6, $0x3;
	[dreg:$0x5] =	wrdreg s5  }
0x12: {  	s6 =	sshll.u32 s6, $0x5;
	s5 =	simm.s32 $0x4;
	[dreg:$0x3] =	wrdreg s8  }
0x13: {  	v2 =	vlaneseq.u32;
	s7 =	sadd.s32 s7, s9;
	s4 =	sadd.s32 s4, s6;
	s6 =	simm.s32 $0x100  }
0x14: {  	vm0 =	vmmov $0xffff;
	v1 =	vshrl.u32 v2, $0x3;
	s8 =	simm.s32 $0x1900;
	s9 =	simm.s32 $0x2100;
	[dreg:$0x4] =	wrdreg s7  }
0x15: {  	v0 =	vand.u32 $0x7, v2;
	v2 =	vor.u32 $0x8, v2;
	v1 =	vmul.u32 $0x8, v1;
	[dreg:$0x6] =	wrdreg s4;
	s4 =	smax.u32 s1, $0x1;
	s1 =	simm.s32 $0x3  }
.LBB2_1:
0x16: {  	s0 =	rddreg [dreg:$0x3]  }
0x17: {  	[tilespmem:s3], [sflag:$0x4] =	stream.linear.gather [hbm4b:s0+s3], $0x60, $0x38;
	[tilespmem:$0xC100] =	vst v63  }
0x18: {  	_ =	swait.ge [sflag:s5], $0x60  }
0x19: {  	s0 =	rddreg [dreg:$0x4];
	[sflag:s5] =	ssyncset.done $0x0  }
0x1a: {  	s7 =	rddreg [dreg:$0x7];
	[sflag:s5] =	ssyncadd.s32 $0xFFFFFFA0  }
0x1b: {  	[tilespmem:s7], [sflag:$0x1] =	stream.linear.gather [hbm4b:s0+s3], $0x60, $0x38;
	[tilespmem:$0xC100] =	vst v63  }
0x1c: {  	v3 =	vld [tilespmem:$0x0];
	_ =	sdelay $0x4  }
0x1d: {  	v4 =	vshll.u32 v3, $0x1  }
0x1e: {  	v3 =	vand.u32 $0x7, v3;
	v4 =	vand.u32 $0xFFFFFFF0, v4  }
0x1f: {  	v3 =	vor.u32 v3, v4  }
0x20: {  	v4 =	vperm.xlane v3, v0;
	_ =	sdelay $0x1  }
0x21: {  	v3 =	vperm.xlane v3, v2;
	v4 =	vadd.s32 v1, v4;
	_ =	sdelay $0x1  }
0x22: {  	v3 =	vadd.s32 v1, v3;
	_ =	sdelay $0x2  }
0x23: {  	[tilespmem:s6], [sflag:$0x2] =	stream.indirect_vreg.gather [hbm4b:s2+s3], $0x80, v4, vm0, $0xb8;
	[tilespmem:$0xC100] =	vst v63  }
0x24: {  	s7 =	rddreg [dreg:$0x8]  }
0x25: {  	[tilespmem:s7], [sflag:$0x2] =	stream.indirect_vreg.gather [hbm4b:s2+s3], $0x80, v3, vm0, $0xb8;
	[tilespmem:$0xC100] =	vst v63  }
0x26: {  	v3 =	vld [tilespmem:$0x10];
	_ =	sdelay $0x4  }
0x27: {  	v53 =	vshll.u32 v3, $0x1  }
0x28: {  	v3 =	vand.u32 $0x7, v3;
	v4 =	vand.u32 $0xFFFFFFF0, v53  }
0x29: {  	v3 =	vor.u32 v3, v4  }
0x2a: {  	v4 =	vperm.xlane v3, v0;
	_ =	sdelay $0x1  }
0x2b: {  	v3 =	vperm.xlane v3, v2;
	v4 =	vadd.s32 v1, v4;
	_ =	sdelay $0x1  }
0x2c: {  	v3 =	vadd.s32 v1, v3;
	_ =	sdelay $0x1  }
0x2d: {  	s7 =	simm.s32 $0x1100  }
0x2e: {  	[tilespmem:s7], [sflag:$0x2] =	stream.indirect_vreg.gather [hbm4b:s2+s3], $0x80, v4, vm0, $0xb8;
	[tilespmem:$0xC100] =	vst v63  }
0x2f: {  	_ = 	snop  }
0x30: {  	[tilespmem:s8], [sflag:$0x2] =	stream.indirect_vreg.gather [hbm4b:s2+s3], $0x80, v3, vm0, $0xb8;
	[tilespmem:$0xC100] =	vst v63  }
0x31: {  	v3 =	vld [tilespmem:$0x20];
	_ =	sdelay $0x4  }
0x32: {  	v54 =	vshll.u32 v3, $0x1  }
0x33: {  	v3 =	vand.u32 $0x7, v3;
	v4 =	vand.u32 $0xFFFFFFF0, v54  }
0x34: {  	v3 =	vor.u32 v3, v4  }
0x35: {  	v4 =	vperm.xlane v3, v0;
	_ =	sdelay $0x1  }
0x36: {  	v3 =	vperm.xlane v3, v2;
	v4 =	vadd.s32 v1, v4;
	_ =	sdelay $0x1  }
0x37: {  	v3 =	vadd.s32 v1, v3;
	_ =	sdelay $0x2  }
0x38: {  	[tilespmem:s9], [sflag:$0x2] =	stream.indirect_vreg.gather [hbm4b:s2+s3], $0x80, v4, vm0, $0xb8;
	[tilespmem:$0xC100] =	vst v63  }
0x39: {  	_ = 	snop  }
0x3a: {  	[tilespmem:s10], [sflag:$0x2] =	stream.indirect_vreg.gather [hbm4b:s2+s3], $0x80, v3, vm0, $0xb8;
	[tilespmem:$0xC100] =	vst v63  }
0x3b: {  	v3 =	vld [tilespmem:$0x30];
	_ =	sdelay $0x4  }
0x3c: {  	v55 =	vshll.u32 v3, $0x1  }
0x3d: {  	v3 =	vand.u32 $0x7, v3;
	v4 =	vand.u32 $0xFFFFFFF0, v55  }
0x3e: {  	v3 =	vor.u32 v3, v4  }
0x3f: {  	v4 =	vperm.xlane v3, v0;
	_ =	sdelay $0x1  }
0x40: {  	v3 =	vperm.xlane v3, v2;
	v4 =	vadd.s32 v1, v4;
	_ =	sdelay $0x1  }
0x41: {  	v3 =	vadd.s32 v1, v3;
	_ =	sdelay $0x2  }
0x42: {  	[tilespmem:s11], [sflag:$0x2] =	stream.indirect_vreg.gather [hbm4b:s2+s3], $0x80, v4, vm0, $0xb8;
	[tilespmem:$0xC100] =	vst v63  }
0x43: {  	_ = 	snop  }
0x44: {  	[tilespmem:s12], [sflag:$0x2] =	stream.indirect_vreg.gather [hbm4b:s2+s3], $0x80, v3, vm0, $0xb8;
	[tilespmem:$0xC100] =	vst v63  }
0x45: {  	v3 =	vld [tilespmem:$0x40];
	_ =	sdelay $0x4  }
0x46: {  	v56 =	vshll.u32 v3, $0x1  }
0x47: {  	v3 =	vand.u32 $0x7, v3;
	v4 =	vand.u32 $0xFFFFFFF0, v56  }
0x48: {  	v3 =	vor.u32 v3, v4  }
0x49: {  	v4 =	vperm.xlane v3, v0;
	_ =	sdelay $0x1  }
0x4a: {  	v3 =	vperm.xlane v3, v2;
	v4 =	vadd.s32 v1, v4;
	_ =	sdelay $0x1  }
0x4b: {  	v3 =	vadd.s32 v1, v3;
	_ =	sdelay $0x2  }
0x4c: {  	[tilespmem:s13], [sflag:$0x2] =	stream.indirect_vreg.gather [hbm4b:s2+s3], $0x80, v4, vm0, $0xb8;
	[tilespmem:$0xC100] =	vst v63  }
0x4d: {  	_ = 	snop  }
0x4e: {  	[tilespmem:s14], [sflag:$0x2] =	stream.indirect_vreg.gather [hbm4b:s2+s3], $0x80, v3, vm0, $0xb8;
	[tilespmem:$0xC100] =	vst v63  }
0x4f: {  	v3 =	vld [tilespmem:$0x50];
	_ =	sdelay $0x4  }
0x50: {  	v57 =	vshll.u32 v3, $0x1  }
0x51: {  	v3 =	vand.u32 $0x7, v3;
	v4 =	vand.u32 $0xFFFFFFF0, v57  }
0x52: {  	v3 =	vor.u32 v3, v4  }
0x53: {  	v4 =	vperm.xlane v3, v0;
	_ =	sdelay $0x1  }
0x54: {  	v3 =	vperm.xlane v3, v2;
	v4 =	vadd.s32 v1, v4;
	_ =	sdelay $0x1  }
0x55: {  	v3 =	vadd.s32 v1, v3;
	_ =	sdelay $0x2  }
0x56: {  	[tilespmem:s15], [sflag:$0x2] =	stream.indirect_vreg.gather [hbm4b:s2+s3], $0x80, v4, vm0, $0xb8;
	[tilespmem:$0xC100] =	vst v63  }
0x57: {  	_ = 	snop  }
0x58: {  	[tilespmem:s16], [sflag:$0x2] =	stream.indirect_vreg.gather [hbm4b:s2+s3], $0x80, v3, vm0, $0xb8;
	[tilespmem:$0xC100] =	vst v63  }
0x59: {  	_ =	swait.ge [sflag:s17], $0x6000  }
0x5a: {  	[sflag:s17] =	ssyncset.done $0x0  }
0x5b: {  	s7 =	rddreg [dreg:$0x5];
	[sflag:s17] =	ssyncadd.s32 $0xFFFFA000  }
0x5c: {  	[hbm4b:s7+s3] =	stream.linear.scatter [tilespmem:s6], [sflag:$0x3], $0x6000, $0x38;
	[tilespmem:$0xC100] =	vst v63  }
0x5d: {  	_ =	swait.ge [sflag:s18], $0x60  }
0x5e: {  	[sflag:s18] =	ssyncset.done $0x0  }
0x5f: {  	[sflag:s18] =	ssyncadd.s32 $0xFFFFFFA0  }
0x60: {  	v3 =	vld [tilespmem:$0x80];
	_ =	sdelay $0x4  }
0x61: {  	v58 =	vshll.u32 v3, $0x1  }
0x62: {  	v3 =	vand.u32 $0x7, v3;
	v4 =	vand.u32 $0xFFFFFFF0, v58  }
0x63: {  	v3 =	vor.u32 v3, v4  }
0x64: {  	v4 =	vperm.xlane v3, v0;
	_ =	sdelay $0x1  }
0x65: {  	v3 =	vperm.xlane v3, v2;
	v4 =	vadd.s32 v1, v4;
	_ =	sdelay $0x1  }
0x66: {  	v3 =	vadd.s32 v1, v3;
	_ =	sdelay $0x2  }
0x67: {  	[tilespmem:s19], [sflag:$0x2] =	stream.indirect_vreg.gather [hbm4b:s2+s3], $0x80, v4, vm0, $0xb8;
	[tilespmem:$0xC100] =	vst v63  }
0x68: {  	_ = 	snop  }
0x69: {  	[tilespmem:s20], [sflag:$0x2] =	stream.indirect_vreg.gather [hbm4b:s2+s3], $0x80, v3, vm0, $0xb8;
	[tilespmem:$0xC100] =	vst v63  }
0x6a: {  	v3 =	vld [tilespmem:$0x90];
	_ =	sdelay $0x4  }
0x6b: {  	v59 =	vshll.u32 v3, $0x1  }
0x6c: {  	v3 =	vand.u32 $0x7, v3;
	v4 =	vand.u32 $0xFFFFFFF0, v59  }
0x6d: {  	v3 =	vor.u32 v3, v4  }
0x6e: {  	v4 =	vperm.xlane v3, v0;
	_ =	sdelay $0x1  }
0x6f: {  	v3 =	vperm.xlane v3, v2;
	v4 =	vadd.s32 v1, v4;
	_ =	sdelay $0x1  }
0x70: {  	v3 =	vadd.s32 v1, v3;
	_ =	sdelay $0x2  }
0x71: {  	[tilespmem:s21], [sflag:$0x2] =	stream.indirect_vreg.gather [hbm4b:s2+s3], $0x80, v4, vm0, $0xb8;
	[tilespmem:$0xC100] =	vst v63  }
0x72: {  	_ = 	snop  }
0x73: {  	[tilespmem:s22], [sflag:$0x2] =	stream.indirect_vreg.gather [hbm4b:s2+s3], $0x80, v3, vm0, $0xb8;
	[tilespmem:$0xC100] =	vst v63  }
0x74: {  	v3 =	vld [tilespmem:$0xA0];
	_ =	sdelay $0x4  }
0x75: {  	v60 =	vshll.u32 v3, $0x1  }
0x76: {  	v3 =	vand.u32 $0x7, v3;
	v4 =	vand.u32 $0xFFFFFFF0, v60  }
0x77: {  	v3 =	vor.u32 v3, v4  }
0x78: {  	v4 =	vperm.xlane v3, v0;
	_ =	sdelay $0x1  }
0x79: {  	v3 =	vperm.xlane v3, v2;
	v4 =	vadd.s32 v1, v4;
	_ =	sdelay $0x1  }
0x7a: {  	v3 =	vadd.s32 v1, v3;
	_ =	sdelay $0x2  }
0x7b: {  	[tilespmem:s23], [sflag:$0x2] =	stream.indirect_vreg.gather [hbm4b:s2+s3], $0x80, v4, vm0, $0xb8;
	[tilespmem:$0xC100] =	vst v63  }
0x7c: {  	_ = 	snop  }
0x7d: {  	[tilespmem:s24], [sflag:$0x2] =	stream.indirect_vreg.gather [hbm4b:s2+s3], $0x80, v3, vm0, $0xb8;
	[tilespmem:$0xC100] =	vst v63  }
0x7e: {  	v3 =	vld [tilespmem:$0xB0];
	_ =	sdelay $0x4  }
0x7f: {  	v61 =	vshll.u32 v3, $0x1  }
0x80: {  	v3 =	vand.u32 $0x7, v3;
	v4 =	vand.u32 $0xFFFFFFF0, v61  }
0x81: {  	v3 =	vor.u32 v3, v4  }
0x82: {  	v4 =	vperm.xlane v3, v0;
	_ =	sdelay $0x1  }
0x83: {  	v3 =	vperm.xlane v3, v2;
	v4 =	vadd.s32 v1, v4;
	_ =	sdelay $0x1  }
0x84: {  	v3 =	vadd.s32 v1, v3;
	_ =	sdelay $0x2  }
0x85: {  	[tilespmem:s25], [sflag:$0x2] =	stream.indirect_vreg.gather [hbm4b:s2+s3], $0x80, v4, vm0, $0xb8;
	[tilespmem:$0xC100] =	vst v63  }
0x86: {  	_ = 	snop  }
0x87: {  	[tilespmem:s26], [sflag:$0x2] =	stream.indirect_vreg.gather [hbm4b:s2+s3], $0x80, v3, vm0, $0xb8;
	[tilespmem:$0xC100] =	vst v63  }
0x88: {  	v3 =	vld [tilespmem:$0xC0];
	_ =	sdelay $0x4  }
0x89: {  	v62 =	vshll.u32 v3, $0x1  }
0x8a: {  	v3 =	vand.u32 $0x7, v3;
	v4 =	vand.u32 $0xFFFFFFF0, v62  }
0x8b: {  	v3 =	vor.u32 v3, v4  }
0x8c: {  	v4 =	vperm.xlane v3, v0;
	_ =	sdelay $0x1  }
0x8d: {  	v3 =	vperm.xlane v3, v2;
	v4 =	vadd.s32 v1, v4;
	_ =	sdelay $0x1  }
0x8e: {  	v3 =	vadd.s32 v1, v3;
	_ =	sdelay $0x2  }
0x8f: {  	[tilespmem:s28], [sflag:$0x2] =	stream.indirect_vreg.gather [hbm4b:s2+s3], $0x80, v4, vm0, $0xb8;
	[tilespmem:$0xC100] =	vst v63  }
0x90: {  	_ = 	snop  }
0x91: {  	[tilespmem:s29], [sflag:$0x2] =	stream.indirect_vreg.gather [hbm4b:s2+s3], $0x80, v3, vm0, $0xb8;
	[tilespmem:$0xC100] =	vst v63  }
0x92: {  	v3 =	vld [tilespmem:$0xD0];
	_ =	sdelay $0x4  }
0x93: {  	v63 =	vshll.u32 v3, $0x1  }
0x94: {  	v3 =	vand.u32 $0x7, v3;
	v4 =	vand.u32 $0xFFFFFFF0, v63  }
0x95: {  	v3 =	vor.u32 v3, v4  }
0x96: {  	v4 =	vperm.xlane v3, v0;
	_ =	sdelay $0x1  }
0x97: {  	v3 =	vperm.xlane v3, v2;
	v4 =	vadd.s32 v1, v4;
	_ =	sdelay $0x1  }
0x98: {  	v3 =	vadd.s32 v1, v3;
	_ =	sdelay $0x2  }
0x99: {  	[tilespmem:s30], [sflag:$0x2] =	stream.indirect_vreg.gather [hbm4b:s2+s3], $0x80, v4, vm0, $0xb8;
	[tilespmem:$0xC100] =	vst v63  }
0x9a: {  	_ = 	snop  }
0x9b: {  	[tilespmem:s31], [sflag:$0x2] =	stream.indirect_vreg.gather [hbm4b:s2+s3], $0x80, v3, vm0, $0xb8;
	[tilespmem:$0xC100] =	vst v63  }
0x9c: {  	_ =	swait.ge [sflag:s17], $0x6000  }
0x9d: {  	[sflag:s17] =	ssyncset.done $0x0  }
0x9e: {  	s7 =	rddreg [dreg:$0x6];
	[sflag:s17] =	ssyncadd.s32 $0xFFFFA000  }
0x9f: {  	[hbm4b:s7+s3] =	stream.linear.scatter [tilespmem:s19], [sflag:$0x3], $0x6000, $0x38;
	[tilespmem:$0xC100] =	vst v63  }
0xa0: {  	p0 =	sne.s32 s4, $0x1;
	_ =	swait.ge [sflag:s1], $0x6000  }
.Ltmp0:
0xa1: {  	[sflag:s1] =	ssyncset.done $0x0;
	(pc) =	sbr.rel @p0 .LBB2_1-.Ltmp0, $4  }
0xa2: {  	[sflag:s1] =	ssyncadd.s32 $0xFFFFA000  }
0xa3: {  	_ =	swait.ge [sflag:s1], $0x6000  }
0xa4: {  	[sflag:s1] =	ssyncset.done $0x0  }
0xa5: {  	s4 =	sadd.s32 $0xFFFFFFFF, s4;
	[sflag:s1] =	ssyncadd.s32 $0xFFFFA000  }
0xa6: {  	_ =	sfence.sel $0x180000  }
0xa7: {  	[bflag:$0x0] =	sbarrier.arrive $0xFFFF  }
0xa8: {  	_ =	strace $0x90000047  }
0xa9: {  	s0 =	stileid.u32;
	[bflag:$0x2] =	sbarrier.arrive $0xFFFF  }
0xaa: {  	p0 =	sne.s32 s0, $0x0;
	s0 =	rddreg [dreg:$0x2]  }
0xab: {  	s0 =	sadd.s32 @!p0 $0x100000, s0  }
0xac: {  	[sflag:s0] =	ssyncadd.tile.s32 @!p0 $0x1;
	_ =	shalt  }
.Lfunc_end2:
_tile_overlayer_lowered:
.L_overlay_start_2:
0xad: {  	(tag) =	ssettag $0x2  }
0xae: {  	s0 =	rddreg [dreg:$0x0];
	s2 =	stileid.u32  }
0xaf: {  	s1 =	rddreg [dreg:$0x1];
	p0 =	sne.s32 s2, $0x0  }
0xb0: {  	s3 =	rddreg [dreg:$0x2];
	[bflag:$0x3] =	sbarrier.arrive $0xFFFF;
	s2 =	simm.s32 @!p0 $0x1C04  }
0xb1: {  	[timem:s3], [sflag:s2] =	dma.local @!p0 [hbm:s0], s1  }
0xb2: {  	s0 =	simm.s32 @!p0 $0x4  }
0xb3: {  	_ =	swait.ge @!p0 [sflag:s0], s1  }
0xb4: {  	s1 =	ssub.s32 @!p0 $0x0, s1;
	[sflag:s0] =	ssyncset.done @!p0 $0x0  }
0xb5: {  	[sflag:s0] =	ssyncadd.s32 @!p0 s1  }
0xb6: {  	[bflag:$0x3] =	sbarrier.arrive $0xFFFF  }
0xb7: {  	_ =	shalt  }

// kernel: kernel.9.cloned.1.call-start
scs
__scs_entry_jumppad:
0x0: {  	(pc) =	sbr.rel $0x88, $3  }
0x1: {  	(tag) =	ssettag $0x0;
	lr =	simm.s32 $0x1  }
0x2: {  	[smem:$0x3F97] =	sst lr;
	_ =	strace $0xD0000000  }
0x3: {  	_ = 	snop  }
0x4: {  	_ = 	snop  }
0x5: {  	_ = 	snop  }
0x6: {  	_ = 	snop  }
0x7: {  	_ = 	snop  }
__scs_overlays_trampoline_lowered:
0x8: {  	[smem:$0x3FA6] =	sst s0  }
0x9: {  	[smem:$0x3FA7] =	sst s1  }
0xa: {  	[smem:$0x3FA8] =	sst s2  }
0xb: {  	[smem:$0x3FA9] =	sst s3  }
0xc: {  	[smem:$0x3FAA] =	sst s4  }
0xd: {  	[smem:$0x3FAB] =	sst s5  }
0xe: {  	[smem:$0x3FAC] =	sst s6  }
0xf: {  	[smem:$0x3FAD] =	sst s7  }
0x10: {  	[smem:$0x3FAE] =	sst s8  }
0x11: {  	[smem:$0x3FAF] =	sst s9;
	s0 =	simm.s32 @!p0 $0x0  }
0x12: {  	s1 =	sld [smem:$0x3F95];
	s0 =	simm.s32 @p0 $0x1  }
0x13: {  	[smem:$0x3FB0] =	sst s0;
	s0 =	simm.s32 @!p1 $0x0  }
0x14: {  	s2 =	sld [smem:$0x3F94];
	s0 =	simm.s32 @p1 $0x1  }
0x15: {  	[smem:$0x3FB1] =	sst s0;
	s0 =	simm.s32 @!p2 $0x0  }
0x16: {  	s3 =	sld [smem:$0x3FDB];
	s0 =	simm.s32 @p2 $0x1  }
0x17: {  	s4 =	simm.s32 $0x1BF5;
	[smem:$0x3FB3] =	sst s0  }
0x18: {  	s0 =	sld [smem:$0x3F96];
	_ =	swait.ge [sflag:s4], $0x0  }
0x19: {  	s7 =	sld [smem:$0x3F97]  }
0x1a: {  	s8 =	sadd.s32 $0xFFFFE003, lr  }
0x1b: {  	s9 =	sadd.s32 $0xFFFFFEF7, lr;
	s5 =	simm.s32 $0xFFFFFFFF;
	p2 =	slt.u32 s8, $0xFFFFF086  }
0x1c: {  	p1 =	slt.u32 s9, $0xF7A;
	s5 =	simm.s32 @!p2 $0x0  }
0x1d: {  	s5 =	simm.s32 @p1 $0x1;
	p0 =	seq.s32 s7, s2  }
0x1e: {  	s7 =	smul.u32 @!p0 $0xF7A, s2;
	p2 =	seq.s32 @!p0 s5, $0x0  }
0x1f: {  	s9 =	smul.u32 $0xF7A, s1;
	s8 =	simm.s32 @!p0 $0x1BF5;
	p2 =	por !p2, p0  }
0x20: {  	[sflag:s8] =	ssyncset.s32 @!p0 $0xFFFFF086;
	s6 =	sadd.s32 @!p0 s3, s7;
	s7 =	simm.s32 @!p0 $0x108  }
0x21: {  	s3 =	sadd.s32 s3, s9;
	s6 =	sadd.s32 @!p0 $0x88, s6;
	s7 =	simm.s32 @p2 $0x1082  }
0x22: {  	[simem:s7], [sflag:s8] =	dma.local @!p0 [hbm:s6], $0xF7A  }
0x23: {  	s9 =	sor.u32 $0xD0000000, s2;
	s6 =	simm.s32 $0x108;
	_ =	swait.ge @!p0 [sflag:s8], $0x0  }
0x24: {  	s3 =	sadd.s32 $0x88, s3;
	s6 =	simm.s32 @!p1 $0x1082;
	[sflag:s4] =	ssyncset.s32 $0xFFFFF086  }
0x25: {  	[simem:s6], [sflag:s4] =	dma.local [hbm:s3], $0xF7A  }
0x26: {  	[smem:$0x3F97] =	sst s1;
	(tag) =	ssettag s2;
	_ =	strace s9  }
0x27: {  	s1 =	sld [smem:$0x3FA7]  }
0x28: {  	s2 =	sld [smem:$0x3FA8]  }
0x29: {  	s4 =	sld [smem:$0x3FAA]  }
0x2a: {  	p0 =	seq.s32 s5, $0x0;
	s5 =	sld [smem:$0x3FAB]  }
0x2b: {  	s6 =	sld [smem:$0x3FAC]  }
0x2c: {  	s7 =	sld [smem:$0x3FAD]  }
0x2d: {  	s3 =	simm.s32 $0x108;
	s8 =	sld [smem:$0x3FAE]  }
0x2e: {  	s3 =	simm.s32 @!p0 $0x1082;
	s9 =	sld [smem:$0x3FAF]  }
0x2f: {  	lr =	sadd.s32 s0, s3;
	s0 =	sld [smem:$0x3FA6]  }
0x30: {  	s3 =	sld [smem:$0x3FA9]  }
0x31: {  	[smem:$0x3FB2] =	sst s10  }
0x32: {  	s10 =	sld [smem:$0x3FB0];
	_ =	sdelay $0x3  }
0x33: {  	p0 =	seq.s32 s10, $0x1;
	s10 =	sld [smem:$0x3FB2];
	_ =	sdelay $0x3  }
0x34: {  	[smem:$0x3FB2] =	sst s10  }
0x35: {  	s10 =	sld [smem:$0x3FB1];
	_ =	sdelay $0x3  }
0x36: {  	p1 =	seq.s32 s10, $0x1;
	s10 =	sld [smem:$0x3FB2];
	_ =	sdelay $0x3  }
0x37: {  	[smem:$0x3FB2] =	sst s10  }
0x38: {  	s10 =	sld [smem:$0x3FB3]  }
0x39: {  	_ = 	snop;
	(pc) =	sbr.ind lr, $3  }
0x3a: {  	_ = 	snop  }
0x3b: {  	_ = 	snop  }
0x3c: {  	p2 =	seq.s32 s10, $0x1;
	s10 =	sld [smem:$0x3FB2]  }
0x3d: {  	_ =	shalt  }
0x3e: {  	_ =	shalt  }
0x3f: {  	_ =	shalt  }
0x40: {  	_ =	shalt  }
0x41: {  	_ =	shalt  }
0x42: {  	_ =	shalt  }
0x43: {  	_ =	shalt  }
0x44: {  	_ =	shalt  }
0x45: {  	_ =	shalt  }
0x46: {  	_ =	shalt  }
0x47: {  	_ =	shalt  }
0x48: {  	_ =	shalt  }
0x49: {  	_ =	shalt  }
0x4a: {  	_ =	shalt  }
0x4b: {  	_ =	shalt  }
0x4c: {  	_ =	shalt  }
0x4d: {  	_ =	shalt  }
0x4e: {  	_ =	shalt  }
0x4f: {  	_ =	shalt  }
0x50: {  	_ =	shalt  }
0x51: {  	_ =	shalt  }
0x52: {  	_ =	shalt  }
0x53: {  	_ =	shalt  }
0x54: {  	_ =	shalt  }
0x55: {  	_ =	shalt  }
0x56: {  	_ =	shalt  }
0x57: {  	_ =	shalt  }
0x58: {  	_ =	shalt  }
0x59: {  	_ =	shalt  }
0x5a: {  	_ =	shalt  }
0x5b: {  	_ =	shalt  }
0x5c: {  	_ =	shalt  }
0x5d: {  	_ =	shalt  }
0x5e: {  	_ =	shalt  }
0x5f: {  	_ =	shalt  }
0x60: {  	_ =	shalt  }
0x61: {  	_ =	shalt  }
0x62: {  	_ =	shalt  }
0x63: {  	_ =	shalt  }
0x64: {  	_ =	shalt  }
0x65: {  	_ =	shalt  }
0x66: {  	_ =	shalt  }
0x67: {  	_ =	shalt  }
0x68: {  	_ =	shalt  }
0x69: {  	_ =	shalt  }
0x6a: {  	_ =	shalt  }
0x6b: {  	_ =	shalt  }
0x6c: {  	_ =	shalt  }
0x6d: {  	_ =	shalt  }
0x6e: {  	_ =	shalt  }
0x6f: {  	_ =	shalt  }
0x70: {  	_ =	shalt  }
0x71: {  	_ =	shalt  }
0x72: {  	_ =	shalt  }
0x73: {  	_ =	shalt  }
0x74: {  	_ =	shalt  }
0x75: {  	_ =	shalt  }
0x76: {  	_ =	shalt  }
0x77: {  	_ =	shalt  }
0x78: {  	_ =	shalt  }
0x79: {  	_ =	shalt  }
0x7a: {  	_ =	shalt  }
0x7b: {  	_ =	shalt  }
0x7c: {  	_ =	shalt  }
0x7d: {  	_ =	shalt  }
0x7e: {  	_ =	shalt  }
0x7f: {  	_ =	shalt  }
0x80: {  	_ =	shalt  }
0x81: {  	_ =	shalt  }
0x82: {  	_ =	shalt  }
0x83: {  	_ =	shalt  }
0x84: {  	_ =	shalt  }
0x85: {  	_ =	shalt  }
0x86: {  	_ =	shalt  }
0x87: {  	_ =	shalt  }
.Lfunc_end0:
.L_simem_size_0:
called_computation.1_lowered:
.L_overlay_start_0:
0x88: {  	s2 =	sld [smem:$0x3FD9]  }
0x89: {  	s3 =	sld [smem:$0x3FFE];
	_ =	sdelay $0x1  }
0x8a: {  	s1 =	srdreg.scid  }
0x8b: {  	s0 =	sand.u32 $0x1, s1  }
0x8c: {  	s17 =	sshll.u32 s0, $0xA;
	s2 =	sadd.s32 s3, s2  }
0x8d: {  	s2 =	sadd.s32 s2, s17  }
0x8e: {  	[smem:$0x3FBE] =	sst s2  }
0x8f: {  	_ = 	snop  }
0x90: {  	s18 =	sld [smem:$0x3FC8];
	(tm) =	ssettm $0x1  }
0x91: {  	s19 =	sld [smem:$0x3FFB];
	_ =	sdelay $0x3  }
0x92: {  	_ =	strace s19  }
0x93: {  	s2 =	sld [smem:$0x3FFC];
	_ =	sdelay $0x3  }
0x94: {  	_ =	strace s2  }
0x95: {  	s2 =	sld [smem:$0x3FFD];
	_ =	sdelay $0x3  }
0x96: {  	_ =	strace s2  }
0x97: {  	_ =	strace $0x8FFFFFFF  }
0x98: {  	s20 =	sld [smem:$0x3FDB];
	_ =	sdelay $0x1  }
0x99: {  	s4 =	simm.s32 $_scs_section_size  }
0x9a: {  	s5 =	simm.s32 $_size__tile_overlayer_lowered;
	s6 =	simm.s32 $_tile_overlayer_lowered  }
0x9b: {  	s7 =	simm.s32 $0x1BFF;
	s21 =	sshll.u32 s6, $0x1;
	s4 =	sadd.s32 s4, s20  }
0x9c: {  	s22 =	simm.s32 $0x0;
	s5 =	sshll.u32 s5, $0x1;
	s6 =	sadd.s32 s21, s4  }
0x9d: {  	[timem:s22], [sflag:s7] =	dma.local [hbm:s6], s5  }
0x9e: {  	_ =	swait.ge [sflag:s7], s5  }
0x9f: {  	s5 =	ssub.s32 $0x0, s5;
	[sflag:s7] =	ssyncset.done $0x0  }
0xa0: {  	[sflag:s7] =	ssyncadd.s32 s5;
	_ =	sdelay $0x1  }
0xa1: {  	s23 =	simm.s32 $0x1B8B  }
0xa2: {  	_ =	swait.ge [sflag:s23], $0x1  }
0xa3: {  	[sflag:s23] =	ssyncset.done $0x0  }
0xa4: {  	[sflag:s23] =	ssyncadd.s32 $0xFFFFFFFF  }
0xa5: {  	s5 =	sld [smem:$0x0]  }
0xa6: {  	s6 =	sand.u32 $0xFFFFFFFE, s1  }
0xa7: {  	p0 =	sne.s32 s1, s6  }
0xa8: {  	s6 =	sshll.u32 @p0 s6, $0xE  }
0xa9: {  	s6 =	sadd.s32 @p0 $0x11B8D, s6;
	s7 =	sshll.u32 @p0 s5, $0x11  }
0xaa: {  	s6 =	sor.u32 @p0 s7, s6  }
0xab: {  	[sflag:s6] =	ssyncadd.remote.s32 @p0 $0x1;
	_ =	sdelay $0x1  }
0xac: {  	s6 =	simm.s32 @p0 $0x1B8D  }
0xad: {  	_ =	swait.eq @p0 [sflag:s6], $0x1  }
0xae: {  	[sflag:s6] =	ssyncadd.s32 @p0 $0xFFFFFFFF  }
0xaf: {  	s7 =	sshll.u32 @!p0 s1, $0xE  }
0xb0: {  	s7 =	sor.u32 @!p0 $0x4000, s7;
	s6 =	simm.s32 @!p0 $0x1B8D  }
0xb1: {  	s5 =	sshll.u32 @!p0 s5, $0x11;
	s7 =	sadd.s32 @!p0 $0x11B8D, s7;
	_ =	swait.eq @!p0 [sflag:s6], $0x1  }
0xb2: {  	s5 =	sor.u32 @!p0 s5, s7;
	[sflag:s6] =	ssyncadd.s32 @!p0 $0xFFFFFFFF  }
0xb3: {  	s25 =	simm.s32 $0x1B8E;
	s24 =	sld [smem:$0x3FFE];
	[sflag:s5] =	ssyncadd.remote.s32 @!p0 $0x1  }
0xb4: {  	s26 =	simm.s32 $execute0_lowered;
	[smem:$0x3FD2] =	sst s25  }
0xb5: {  	s6 =	sshll.u32 s26, $0x1;
	_ =	strace $0x80000049;
	[dreg:$0x1] =	wrdreg $0xFFFFFFFF  }
0xb6: {  	s28 =	simm.s32 $_size_execute0_lowered;
	s4 =	sadd.s32 s4, s6;
	[dreg:$0x0] =	wrdreg $0x0  }
0xb7: {  	s6 =	sshll.u32 s28, $0x1;
	[dreg:$0x2] =	wrdreg s4  }
0xb8: {  	[dreg:$0x3] =	wrdreg s6  }
0xb9: {  	[dreg:$0x4] =	wrdreg $0xC0  }
0xba: {  	_ =	task [dreg:s22], $0x5FFFF  }
0xbb: {  	[dreg:$0x1] =	wrdreg $0xFFFFFFFF  }
0xbc: {  	[dreg:$0x0] =	wrdreg $0x60  }
0xbd: {  	[dreg:$0x2] =	wrdreg s18  }
0xbe: {  	[dreg:$0x3] =	wrdreg s24  }
0xbf: {  	[dreg:$0x4] =	wrdreg $0xA  }
0xc0: {  	_ =	task.clear_ibuf [dreg:s22], $0x5FFFF;
	_ =	strace $0x90000049  }
0xc1: {  	s29 =	simm.s32 $0xA;
	_ =	strace $0x8000004B  }
0xc2: {  	_ =	swait.ge [sflag:s29], $0x1  }
0xc3: {  	[sflag:s29] =	ssyncadd.s32 $0xFFFFFFFF  }
0xc4: {  	_ =	strace $0x9000004B  }
0xc5: {  	_ =	sfence  }
0xc6: {  	s30 =	sld [smem:$0x0];
	_ =	sdelay $0x2  }
0xc7: {  	s31 =	sshll.u32 s1, $0xD;
	s1 =	sshrl.u32 s1, $0x2  }
0xc8: {  	s4 =	sand.u32 $0x4000, s31;
	s1 =	sadd.s32 s1, s30  }
0xc9: {  	s0 =	sor.u32 s4, s0;
	s1 =	sshll.u32 s1, $0x11  }
0xca: {  	s0 =	sor.u32 s1, s0  }
0xcb: {  	s0 =	sadd.s32 $0x8F2B, s0  }
0xcc: {  	[sflag:s0] =	ssyncadd.remote.s32 $0x1  }
0xcd: {  	_ =	sfence.sel $0xFFFF  }
0xce: {  	[dreg:$0x0] =	wrdreg $0xFFFFFFFF;
	(pc) =	sbr.abs _section_cstart, $3  }
0xcf: {  	[dreg:$0x1] =	wrdreg $0xFFFFFFFF  }
0xd0: {  	_ =	task.clear_ibuf [dreg:s22], $0x2FFFF;
	_ =	strace $0x9FFFFFFF  }
0xd1: {  	(tm) =	ssettm $0x7FFFFFFF  }
tec
execute0_lowered:
.L_overlay_start_1:
0x0: {  	(tag) =	ssettag $0x1  }
0x1: {  	s2 =	rddreg [dreg:$0x0];
	s0 =	srdreg.scid  }
0x2: {  	s3 =	stileid.u32;
	s1 =	rddreg [dreg:$0x1];
	s11 =	simm.s32 $0x3  }
0x3: {  	s13 =	simm.s32 $0x80;
	s14 =	simm.s32 $0x900;
	s15 =	simm.s32 $0x1100  }
0x4: {  	s16 =	simm.s32 $0x1900;
	s17 =	simm.s32 $0x2100;
	s28 =	simm.s32 $0x5900  }
0x5: {  	s29 =	simm.s32 $0x6100;
	s30 =	simm.s32 $0x6900;
	s31 =	simm.s32 $0x7900  }
0x6: {  	s10 =	simm.s32 $0xA900;
	s0 =	sand.u32 $0x1, s0;
	s4 =	sshll.u32 s3, $0x1  }
0x7: {  	s3 =	simm.s32 $0x0;
	s6 =	sadd.s32 $0x32200, s1;
	s4 =	sor.u32 s0, s4  }
0x8: {  	s1 =	sadd.s32 $0x32A00, s1;
	s0 =	ssub.s32 $0x2, s0;
	s5 =	smul.u32 $0x1C0, s4  }
0x9: {  	[smem:$0x7FF] =	sst s3;
	s4 =	smul.u32 $0x3800, s4;
	s20 =	sshrl.u32 s0, $0x1  }
0xa: {  	_ =	strace $0x8000004A;
	s0 =	ssub.s32 s0, s20;
	s20 =	simm.s32 $0x3900  }
0xb: {  	s7 =	sshrl.u32 s5, $0x3;
	s8 =	sadd.s32 $0x70, s5;
	s4 =	sadd.s32 s1, s4  }
0xc: {  	s19 =	sadd.s32 $0xE0, s5;
	s5 =	sadd.s32 $0x150, s5;
	s7 =	sadd.s32 s6, s7  }
0xd: {  	s9 =	sshrl.u32 s8, $0x3;
	[dreg:$0x5] =	wrdreg s4;
	s21 =	sshrl.u32 s19, $0x3  }
0xe: {  	s8 =	sshll.u32 s8, $0x5;
	s23 =	sshrl.u32 s5, $0x3;
	s25 =	sshll.u32 s19, $0x5  }
0xf: {  	s5 =	sshll.u32 s5, $0x5;
	s19 =	simm.s32 $0x3100;
	[dreg:$0x3] =	wrdreg s7  }
0x10: {  	s18 =	sadd.s32 s6, s9;
	s4 =	sadd.s32 s6, s21;
	s22 =	sadd.s32 s1, s8  }
0x11: {  	s24 =	sadd.s32 s6, s23;
	s26 =	sadd.s32 s1, s25;
	[dreg:$0x4] =	wrdreg s18  }
0x12: {  	s1 =	sadd.s32 s1, s5;
	s21 =	simm.s32 $0x2;
	[dreg:$0x6] =	wrdreg s4  }
0x13: {  	s23 =	simm.s32 $0x100;
	s25 =	simm.s32 $0x4900;
	[dreg:$0x7] =	wrdreg s22  }
0x14: {  	s6 =	simm.s32 $0x9100;
	s8 =	simm.s32 $0x9900;
	[dreg:$0x8] =	wrdreg s24  }
0x15: {  	v2 =	vlaneseq.u32;
	s9 =	simm.s32 $0xA100;
	s7 =	simm.s32 $0xB900;
	[dreg:$0x9] =	wrdreg s26  }
0x16: {  	vm0 =	vmmov $0xffff;
	v1 =	vshrl.u32 v2, $0x3;
	[dreg:$0xa] =	wrdreg s1;
	s4 =	smax.u32 s0, $0x1;
	s22 =	simm.s32 $0x1  }
0x17: {  	v0 =	vand.u32 $0x7, v2;
	v2 =	vor.u32 $0x8, v2;
	v1 =	vmul.u32 $0x8, v1;
	s18 =	simm.s32 $0x2900;
	s24 =	simm.s32 $0x4100;
	s26 =	simm.s32 $0x5100  }
.LBB2_1:
0x18: {  	s12 =	rddreg [dreg:$0x3];
	s0 =	simm.s32 $0x4  }
0x19: {  	[tilespmem:s3], [sflag:$0x4] =	stream.linear.gather [hbm4b:s12+s3], $0x70, $0x38;
	[tilespmem:$0xE100] =	vst v63  }
0x1a: {  	_ =	swait.ge [sflag:s0], $0x70  }
0x1b: {  	[sflag:s0] =	ssyncset.done $0x0  }
0x1c: {  	s5 =	rddreg [dreg:$0x4];
	[sflag:s0] =	ssyncadd.s32 $0xFFFFFF90  }
0x1d: {  	[tilespmem:s13], [sflag:$0x1] =	stream.linear.gather [hbm4b:s5+s3], $0x70, $0x38;
	[tilespmem:$0xE100] =	vst v63  }
0x1e: {  	v3 =	vld [tilespmem:$0x0];
	_ =	sdelay $0x4  }
0x1f: {  	v4 =	vshll.u32 v3, $0x1  }
0x20: {  	v3 =	vand.u32 $0x7, v3;
	v4 =	vand.u32 $0xFFFFFFF0, v4  }
0x21: {  	v3 =	vor.u32 v3, v4  }
0x22: {  	v4 =	vperm.xlane v3, v0;
	_ =	sdelay $0x1  }
0x23: {  	v3 =	vperm.xlane v3, v2;
	v4 =	vadd.s32 v1, v4;
	_ =	sdelay $0x1  }
0x24: {  	v3 =	vadd.s32 v1, v3;
	_ =	sdelay $0x2  }
0x25: {  	[tilespmem:s23], [sflag:$0x2] =	stream.indirect_vreg.gather [hbm4b:s2+s3], $0x80, v4, vm0, $0xb8;
	[tilespmem:$0xE100] =	vst v63  }
0x26: {  	_ = 	snop  }
0x27: {  	[tilespmem:s14], [sflag:$0x2] =	stream.indirect_vreg.gather [hbm4b:s2+s3], $0x80, v3, vm0, $0xb8;
	[tilespmem:$0xE100] =	vst v63  }
0x28: {  	v3 =	vld [tilespmem:$0x10];
	_ =	sdelay $0x4  }
0x29: {  	v37 =	vshll.u32 v3, $0x1  }
0x2a: {  	v3 =	vand.u32 $0x7, v3;
	v4 =	vand.u32 $0xFFFFFFF0, v37  }
0x2b: {  	v3 =	vor.u32 v3, v4  }
0x2c: {  	v4 =	vperm.xlane v3, v0;
	_ =	sdelay $0x1  }
0x2d: {  	v3 =	vperm.xlane v3, v2;
	v4 =	vadd.s32 v1, v4;
	_ =	sdelay $0x1  }
0x2e: {  	v3 =	vadd.s32 v1, v3;
	_ =	sdelay $0x2  }
0x2f: {  	[tilespmem:s15], [sflag:$0x2] =	stream.indirect_vreg.gather [hbm4b:s2+s3], $0x80, v4, vm0, $0xb8;
	[tilespmem:$0xE100] =	vst v63  }
0x30: {  	_ = 	snop  }
0x31: {  	[tilespmem:s16], [sflag:$0x2] =	stream.indirect_vreg.gather [hbm4b:s2+s3], $0x80, v3, vm0, $0xb8;
	[tilespmem:$0xE100] =	vst v63  }
0x32: {  	v3 =	vld [tilespmem:$0x20];
	_ =	sdelay $0x4  }
0x33: {  	v38 =	vshll.u32 v3, $0x1  }
0x34: {  	v3 =	vand.u32 $0x7, v3;
	v4 =	vand.u32 $0xFFFFFFF0, v38  }
0x35: {  	v3 =	vor.u32 v3, v4  }
0x36: {  	v4 =	vperm.xlane v3, v0;
	_ =	sdelay $0x1  }
0x37: {  	v3 =	vperm.xlane v3, v2;
	v4 =	vadd.s32 v1, v4;
	_ =	sdelay $0x1  }
0x38: {  	v3 =	vadd.s32 v1, v3;
	_ =	sdelay $0x2  }
0x39: {  	[tilespmem:s17], [sflag:$0x2] =	stream.indirect_vreg.gather [hbm4b:s2+s3], $0x80, v4, vm0, $0xb8;
	[tilespmem:$0xE100] =	vst v63  }
0x3a: {  	_ = 	snop  }
0x3b: {  	[tilespmem:s18], [sflag:$0x2] =	stream.indirect_vreg.gather [hbm4b:s2+s3], $0x80, v3, vm0, $0xb8;
	[tilespmem:$0xE100] =	vst v63  }
0x3c: {  	v3 =	vld [tilespmem:$0x30];
	_ =	sdelay $0x4  }
0x3d: {  	v39 =	vshll.u32 v3, $0x1  }
0x3e: {  	v3 =	vand.u32 $0x7, v3;
	v4 =	vand.u32 $0xFFFFFFF0, v39  }
0x3f: {  	v3 =	vor.u32 v3, v4  }
0x40: {  	v4 =	vperm.xlane v3, v0;
	_ =	sdelay $0x1  }
0x41: {  	v3 =	vperm.xlane v3, v2;
	v4 =	vadd.s32 v1, v4;
	_ =	sdelay $0x1  }
0x42: {  	v3 =	vadd.s32 v1, v3;
	_ =	sdelay $0x2  }
0x43: {  	[tilespmem:s19], [sflag:$0x2] =	stream.indirect_vreg.gather [hbm4b:s2+s3], $0x80, v4, vm0, $0xb8;
	[tilespmem:$0xE100] =	vst v63  }
0x44: {  	_ = 	snop  }
0x45: {  	[tilespmem:s20], [sflag:$0x2] =	stream.indirect_vreg.gather [hbm4b:s2+s3], $0x80, v3, vm0, $0xb8;
	[tilespmem:$0xE100] =	vst v63  }
0x46: {  	v3 =	vld [tilespmem:$0x40];
	_ =	sdelay $0x4  }
0x47: {  	v40 =	vshll.u32 v3, $0x1  }
0x48: {  	v3 =	vand.u32 $0x7, v3;
	v4 =	vand.u32 $0xFFFFFFF0, v40  }
0x49: {  	v3 =	vor.u32 v3, v4  }
0x4a: {  	v4 =	vperm.xlane v3, v0;
	_ =	sdelay $0x1  }
0x4b: {  	v3 =	vperm.xlane v3, v2;
	v4 =	vadd.s32 v1, v4;
	_ =	sdelay $0x1  }
0x4c: {  	v3 =	vadd.s32 v1, v3;
	_ =	sdelay $0x2  }
0x4d: {  	[tilespmem:s24], [sflag:$0x2] =	stream.indirect_vreg.gather [hbm4b:s2+s3], $0x80, v4, vm0, $0xb8;
	[tilespmem:$0xE100] =	vst v63  }
0x4e: {  	_ = 	snop  }
0x4f: {  	[tilespmem:s25], [sflag:$0x2] =	stream.indirect_vreg.gather [hbm4b:s2+s3], $0x80, v3, vm0, $0xb8;
	[tilespmem:$0xE100] =	vst v63  }
0x50: {  	v3 =	vld [tilespmem:$0x50];
	_ =	sdelay $0x4  }
0x51: {  	v41 =	vshll.u32 v3, $0x1  }
0x52: {  	v3 =	vand.u32 $0x7, v3;
	v4 =	vand.u32 $0xFFFFFFF0, v41  }
0x53: {  	v3 =	vor.u32 v3, v4  }
0x54: {  	v4 =	vperm.xlane v3, v0;
	_ =	sdelay $0x1  }
0x55: {  	v3 =	vperm.xlane v3, v2;
	v4 =	vadd.s32 v1, v4;
	_ =	sdelay $0x1  }
0x56: {  	v3 =	vadd.s32 v1, v3;
	_ =	sdelay $0x2  }
0x57: {  	[tilespmem:s26], [sflag:$0x2] =	stream.indirect_vreg.gather [hbm4b:s2+s3], $0x80, v4, vm0, $0xb8;
	[tilespmem:$0xE100] =	vst v63  }
0x58: {  	_ = 	snop  }
0x59: {  	[tilespmem:s28], [sflag:$0x2] =	stream.indirect_vreg.gather [hbm4b:s2+s3], $0x80, v3, vm0, $0xb8;
	[tilespmem:$0xE100] =	vst v63  }
0x5a: {  	v3 =	vld [tilespmem:$0x60];
	_ =	sdelay $0x4  }
0x5b: {  	v42 =	vshll.u32 v3, $0x1  }
0x5c: {  	v3 =	vand.u32 $0x7, v3;
	v4 =	vand.u32 $0xFFFFFFF0, v42  }
0x5d: {  	v3 =	vor.u32 v3, v4  }
0x5e: {  	v4 =	vperm.xlane v3, v0;
	_ =	sdelay $0x1  }
0x5f: {  	v3 =	vperm.xlane v3, v2;
	v4 =	vadd.s32 v1, v4;
	_ =	sdelay $0x1  }
0x60: {  	v3 =	vadd.s32 v1, v3;
	_ =	sdelay $0x2  }
0x61: {  	[tilespmem:s29], [sflag:$0x2] =	stream.indirect_vreg.gather [hbm4b:s2+s3], $0x80, v4, vm0, $0xb8;
	[tilespmem:$0xE100] =	vst v63  }
0x62: {  	_ = 	snop  }
0x63: {  	[tilespmem:s30], [sflag:$0x2] =	stream.indirect_vreg.gather [hbm4b:s2+s3], $0x80, v3, vm0, $0xb8;
	[tilespmem:$0xE100] =	vst v63  }
0x64: {  	_ =	swait.ge [sflag:s21], $0x7000  }
0x65: {  	[sflag:s21] =	ssyncset.done $0x0  }
0x66: {  	s1 =	rddreg [dreg:$0x5];
	[sflag:s21] =	ssyncadd.s32 $0xFFFF9000  }
0x67: {  	[hbm4b:s1+s3] =	stream.linear.scatter [tilespmem:s23], [sflag:$0x3], $0x7000, $0x38;
	[tilespmem:$0xE100] =	vst v63  }
0x68: {  	_ =	swait.ge [sflag:s22], $0x70  }
0x69: {  	[sflag:s22] =	ssyncset.done $0x0  }
0x6a: {  	s5 =	rddreg [dreg:$0x6];
	[sflag:s22] =	ssyncadd.s32 $0xFFFFFF90  }
0x6b: {  	[tilespmem:s3], [sflag:$0x1] =	stream.linear.gather [hbm4b:s5+s3], $0x70, $0x38;
	[tilespmem:$0xE100] =	vst v63  }
0x6c: {  	v3 =	vld [tilespmem:$0x80];
	_ =	sdelay $0x4  }
0x6d: {  	v43 =	vshll.u32 v3, $0x1  }
0x6e: {  	v3 =	vand.u32 $0x7, v3;
	v4 =	vand.u32 $0xFFFFFFF0, v43  }
0x6f: {  	v3 =	vor.u32 v3, v4  }
0x70: {  	v4 =	vperm.xlane v3, v0;
	_ =	sdelay $0x1  }
0x71: {  	v3 =	vperm.xlane v3, v2;
	v4 =	vadd.s32 v1, v4;
	_ =	sdelay $0x1  }
0x72: {  	v3 =	vadd.s32 v1, v3;
	_ =	sdelay $0x1  }
0x73: {  	s0 =	simm.s32 $0x7100  }
0x74: {  	[tilespmem:s0], [sflag:$0x2] =	stream.indirect_vreg.gather [hbm4b:s2+s3], $0x80, v4, vm0, $0xb8;
	[tilespmem:$0xE100] =	vst v63  }
0x75: {  	_ = 	snop  }
0x76: {  	[tilespmem:s31], [sflag:$0x2] =	stream.indirect_vreg.gather [hbm4b:s2+s3], $0x80, v3, vm0, $0xb8;
	[tilespmem:$0xE100] =	vst v63  }
0x77: {  	v3 =	vld [tilespmem:$0x90];
	_ =	sdelay $0x4  }
0x78: {  	v44 =	vshll.u32 v3, $0x1  }
0x79: {  	v3 =	vand.u32 $0x7, v3;
	v4 =	vand.u32 $0xFFFFFFF0, v44  }
0x7a: {  	v3 =	vor.u32 v3, v4  }
0x7b: {  	v4 =	vperm.xlane v3, v0;
	_ =	sdelay $0x1  }
0x7c: {  	v3 =	vperm.xlane v3, v2;
	v4 =	vadd.s32 v1, v4;
	_ =	sdelay $0x1  }
0x7d: {  	v3 =	vadd.s32 v1, v3;
	_ =	sdelay $0x1  }
0x7e: {  	s1 =	simm.s32 $0x8100  }
0x7f: {  	[tilespmem:s1], [sflag:$0x2] =	stream.indirect_vreg.gather [hbm4b:s2+s3], $0x80, v4, vm0, $0xb8;
	[tilespmem:$0xE100] =	vst v63  }
0x80: {  	s5 =	simm.s32 $0x8900  }
0x81: {  	[tilespmem:s5], [sflag:$0x2] =	stream.indirect_vreg.gather [hbm4b:s2+s3], $0x80, v3, vm0, $0xb8;
	[tilespmem:$0xE100] =	vst v63  }
0x82: {  	v3 =	vld [tilespmem:$0xA0];
	_ =	sdelay $0x4  }
0x83: {  	v45 =	vshll.u32 v3, $0x1  }
0x84: {  	v3 =	vand.u32 $0x7, v3;
	v4 =	vand.u32 $0xFFFFFFF0, v45  }
0x85: {  	v3 =	vor.u32 v3, v4  }
0x86: {  	v4 =	vperm.xlane v3, v0;
	_ =	sdelay $0x1  }
0x87: {  	v3 =	vperm.xlane v3, v2;
	v4 =	vadd.s32 v1, v4;
	_ =	sdelay $0x1  }
0x88: {  	v3 =	vadd.s32 v1, v3;
	_ =	sdelay $0x2  }
0x89: {  	[tilespmem:s6], [sflag:$0x2] =	stream.indirect_vreg.gather [hbm4b:s2+s3], $0x80, v4, vm0, $0xb8;
	[tilespmem:$0xE100] =	vst v63  }
0x8a: {  	_ = 	snop  }
0x8b: {  	[tilespmem:s8], [sflag:$0x2] =	stream.indirect_vreg.gather [hbm4b:s2+s3], $0x80, v3, vm0, $0xb8;
	[tilespmem:$0xE100] =	vst v63  }
0x8c: {  	v3 =	vld [tilespmem:$0xB0];
	_ =	sdelay $0x4  }
0x8d: {  	v46 =	vshll.u32 v3, $0x1  }
0x8e: {  	v3 =	vand.u32 $0x7, v3;
	v4 =	vand.u32 $0xFFFFFFF0, v46  }
0x8f: {  	v3 =	vor.u32 v3, v4  }
0x90: {  	v4 =	vperm.xlane v3, v0;
	_ =	sdelay $0x1  }
0x91: {  	v3 =	vperm.xlane v3, v2;
	v4 =	vadd.s32 v1, v4;
	_ =	sdelay $0x1  }
0x92: {  	v3 =	vadd.s32 v1, v3;
	_ =	sdelay $0x2  }
0x93: {  	[tilespmem:s9], [sflag:$0x2] =	stream.indirect_vreg.gather [hbm4b:s2+s3], $0x80, v4, vm0, $0xb8;
	[tilespmem:$0xE100] =	vst v63  }
0x94: {  	_ = 	snop  }
0x95: {  	[tilespmem:s10], [sflag:$0x2] =	stream.indirect_vreg.gather [hbm4b:s2+s3], $0x80, v3, vm0, $0xb8;
	[tilespmem:$0xE100] =	vst v63  }
0x96: {  	v3 =	vld [tilespmem:$0xC0];
	_ =	sdelay $0x4  }
0x97: {  	v47 =	vshll.u32 v3, $0x1  }
0x98: {  	v3 =	vand.u32 $0x7, v3;
	v4 =	vand.u32 $0xFFFFFFF0, v47  }
0x99: {  	v3 =	vor.u32 v3, v4  }
0x9a: {  	v4 =	vperm.xlane v3, v0;
	_ =	sdelay $0x1  }
0x9b: {  	v3 =	vperm.xlane v3, v2;
	v4 =	vadd.s32 v1, v4;
	_ =	sdelay $0x1  }
0x9c: {  	v3 =	vadd.s32 v1, v3;
	_ =	sdelay $0x1  }
0x9d: {  	s5 =	simm.s32 $0xB100  }
0x9e: {  	[tilespmem:s5], [sflag:$0x2] =	stream.indirect_vreg.gather [hbm4b:s2+s3], $0x80, v4, vm0, $0xb8;
	[tilespmem:$0xE100] =	vst v63  }
0x9f: {  	_ = 	snop  }
0xa0: {  	[tilespmem:s7], [sflag:$0x2] =	stream.indirect_vreg.gather [hbm4b:s2+s3], $0x80, v3, vm0, $0xb8;
	[tilespmem:$0xE100] =	vst v63  }
0xa1: {  	v3 =	vld [tilespmem:$0xD0];
	_ =	sdelay $0x4  }
0xa2: {  	v48 =	vshll.u32 v3, $0x1  }
0xa3: {  	v3 =	vand.u32 $0x7, v3;
	v4 =	vand.u32 $0xFFFFFFF0, v48  }
0xa4: {  	v3 =	vor.u32 v3, v4  }
0xa5: {  	v4 =	vperm.xlane v3, v0;
	_ =	sdelay $0x1  }
0xa6: {  	v3 =	vperm.xlane v3, v2;
	v4 =	vadd.s32 v1, v4;
	_ =	sdelay $0x1  }
0xa7: {  	v3 =	vadd.s32 v1, v3;
	_ =	sdelay $0x1  }
0xa8: {  	s12 =	simm.s32 $0xC100  }
0xa9: {  	[tilespmem:s12], [sflag:$0x2] =	stream.indirect_vreg.gather [hbm4b:s2+s3], $0x80, v4, vm0, $0xb8;
	[tilespmem:$0xE100] =	vst v63  }
0xaa: {  	s12 =	simm.s32 $0xC900  }
0xab: {  	[tilespmem:s12], [sflag:$0x2] =	stream.indirect_vreg.gather [hbm4b:s2+s3], $0x80, v3, vm0, $0xb8;
	[tilespmem:$0xE100] =	vst v63  }
0xac: {  	v3 =	vld [tilespmem:$0xE0];
	_ =	sdelay $0x4  }
0xad: {  	v49 =	vshll.u32 v3, $0x1  }
0xae: {  	v3 =	vand.u32 $0x7, v3;
	v4 =	vand.u32 $0xFFFFFFF0, v49  }
0xaf: {  	v3 =	vor.u32 v3, v4  }
0xb0: {  	v4 =	vperm.xlane v3, v0;
	_ =	sdelay $0x1  }
0xb1: {  	v3 =	vperm.xlane v3, v2;
	v4 =	vadd.s32 v1, v4;
	_ =	sdelay $0x1  }
0xb2: {  	v3 =	vadd.s32 v1, v3;
	_ =	sdelay $0x1  }
0xb3: {  	s12 =	simm.s32 $0xD100  }
0xb4: {  	[tilespmem:s12], [sflag:$0x2] =	stream.indirect_vreg.gather [hbm4b:s2+s3], $0x80, v4, vm0, $0xb8;
	[tilespmem:$0xE100] =	vst v63  }
0xb5: {  	s12 =	simm.s32 $0xD900  }
0xb6: {  	[tilespmem:s12], [sflag:$0x2] =	stream.indirect_vreg.gather [hbm4b:s2+s3], $0x80, v3, vm0, $0xb8;
	[tilespmem:$0xE100] =	vst v63  }
0xb7: {  	_ =	swait.ge [sflag:s21], $0x7000  }
0xb8: {  	[sflag:s21] =	ssyncset.done $0x0  }
0xb9: {  	s12 =	rddreg [dreg:$0x7];
	[sflag:s21] =	ssyncadd.s32 $0xFFFF9000  }
0xba: {  	[hbm4b:s12+s3] =	stream.linear.scatter [tilespmem:s0], [sflag:$0x3], $0x7000, $0x38;
	[tilespmem:$0xE100] =	vst v63  }
0xbb: {  	_ =	swait.ge [sflag:s22], $0x70  }
0xbc: {  	[sflag:s22] =	ssyncset.done $0x0  }
0xbd: {  	s12 =	rddreg [dreg:$0x8];
	[sflag:s22] =	ssyncadd.s32 $0xFFFFFF90  }
0xbe: {  	[tilespmem:s13], [sflag:$0x1] =	stream.linear.gather [hbm4b:s12+s3], $0x70, $0x38;
	[tilespmem:$0xE100] =	vst v63  }
0xbf: {  	_ =	swait.ge [sflag:s11], $0x7000  }
0xc0: {  	[sflag:s11] =	ssyncset.done $0x0  }
0xc1: {  	[sflag:s11] =	ssyncadd.s32 $0xFFFF9000  }
0xc2: {  	v3 =	vld [tilespmem:$0x0];
	_ =	sdelay $0x4  }
0xc3: {  	v50 =	vshll.u32 v3, $0x1  }
0xc4: {  	v3 =	vand.u32 $0x7, v3;
	v4 =	vand.u32 $0xFFFFFFF0, v50  }
0xc5: {  	v3 =	vor.u32 v3, v4  }
0xc6: {  	v4 =	vperm.xlane v3, v0;
	_ =	sdelay $0x1  }
0xc7: {  	v3 =	vperm.xlane v3, v2;
	v4 =	vadd.s32 v1, v4;
	_ =	sdelay $0x1  }
0xc8: {  	v3 =	vadd.s32 v1, v3;
	_ =	sdelay $0x2  }
0xc9: {  	[tilespmem:s23], [sflag:$0x2] =	stream.indirect_vreg.gather [hbm4b:s2+s3], $0x80, v4, vm0, $0xb8;
	[tilespmem:$0xE100] =	vst v63  }
0xca: {  	_ = 	snop  }
0xcb: {  	[tilespmem:s14], [sflag:$0x2] =	stream.indirect_vreg.gather [hbm4b:s2+s3], $0x80, v3, vm0, $0xb8;
	[tilespmem:$0xE100] =	vst v63  }
0xcc: {  	v3 =	vld [tilespmem:$0x10];
	_ =	sdelay $0x4  }
0xcd: {  	v51 =	vshll.u32 v3, $0x1  }
0xce: {  	v3 =	vand.u32 $0x7, v3;
	v4 =	vand.u32 $0xFFFFFFF0, v51  }
0xcf: {  	v3 =	vor.u32 v3, v4  }
0xd0: {  	v4 =	vperm.xlane v3, v0;
	_ =	sdelay $0x1  }
0xd1: {  	v3 =	vperm.xlane v3, v2;
	v4 =	vadd.s32 v1, v4;
	_ =	sdelay $0x1  }
0xd2: {  	v3 =	vadd.s32 v1, v3;
	_ =	sdelay $0x2  }
0xd3: {  	[tilespmem:s15], [sflag:$0x2] =	stream.indirect_vreg.gather [hbm4b:s2+s3], $0x80, v4, vm0, $0xb8;
	[tilespmem:$0xE100] =	vst v63  }
0xd4: {  	_ = 	snop  }
0xd5: {  	[tilespmem:s16], [sflag:$0x2] =	stream.indirect_vreg.gather [hbm4b:s2+s3], $0x80, v3, vm0, $0xb8;
	[tilespmem:$0xE100] =	vst v63  }
0xd6: {  	v3 =	vld [tilespmem:$0x20];
	_ =	sdelay $0x4  }
0xd7: {  	v52 =	vshll.u32 v3, $0x1  }
0xd8: {  	v3 =	vand.u32 $0x7, v3;
	v4 =	vand.u32 $0xFFFFFFF0, v52  }
0xd9: {  	v3 =	vor.u32 v3, v4  }
0xda: {  	v4 =	vperm.xlane v3, v0;
	_ =	sdelay $0x1  }
0xdb: {  	v3 =	vperm.xlane v3, v2;
	v4 =	vadd.s32 v1, v4;
	_ =	sdelay $0x1  }
0xdc: {  	v3 =	vadd.s32 v1, v3;
	_ =	sdelay $0x2  }
0xdd: {  	[tilespmem:s17], [sflag:$0x2] =	stream.indirect_vreg.gather [hbm4b:s2+s3], $0x80, v4, vm0, $0xb8;
	[tilespmem:$0xE100] =	vst v63  }
0xde: {  	_ = 	snop  }
0xdf: {  	[tilespmem:s18], [sflag:$0x2] =	stream.indirect_vreg.gather [hbm4b:s2+s3], $0x80, v3, vm0, $0xb8;
	[tilespmem:$0xE100] =	vst v63  }
0xe0: {  	v3 =	vld [tilespmem:$0x30];
	_ =	sdelay $0x4  }
0xe1: {  	v53 =	vshll.u32 v3, $0x1  }
0xe2: {  	v3 =	vand.u32 $0x7, v3;
	v4 =	vand.u32 $0xFFFFFFF0, v53  }
0xe3: {  	v3 =	vor.u32 v3, v4  }
0xe4: {  	v4 =	vperm.xlane v3, v0;
	_ =	sdelay $0x1  }
0xe5: {  	v3 =	vperm.xlane v3, v2;
	v4 =	vadd.s32 v1, v4;
	_ =	sdelay $0x1  }
0xe6: {  	v3 =	vadd.s32 v1, v3;
	_ =	sdelay $0x2  }
0xe7: {  	[tilespmem:s19], [sflag:$0x2] =	stream.indirect_vreg.gather [hbm4b:s2+s3], $0x80, v4, vm0, $0xb8;
	[tilespmem:$0xE100] =	vst v63  }
0xe8: {  	_ = 	snop  }
0xe9: {  	[tilespmem:s20], [sflag:$0x2] =	stream.indirect_vreg.gather [hbm4b:s2+s3], $0x80, v3, vm0, $0xb8;
	[tilespmem:$0xE100] =	vst v63  }
0xea: {  	v3 =	vld [tilespmem:$0x40];
	_ =	sdelay $0x4  }
0xeb: {  	v54 =	vshll.u32 v3, $0x1  }
0xec: {  	v3 =	vand.u32 $0x7, v3;
	v4 =	vand.u32 $0xFFFFFFF0, v54  }
0xed: {  	v3 =	vor.u32 v3, v4  }
0xee: {  	v4 =	vperm.xlane v3, v0;
	_ =	sdelay $0x1  }
0xef: {  	v3 =	vperm.xlane v3, v2;
	v4 =	vadd.s32 v1, v4;
	_ =	sdelay $0x1  }
0xf0: {  	v3 =	vadd.s32 v1, v3;
	_ =	sdelay $0x2  }
0xf1: {  	[tilespmem:s24], [sflag:$0x2] =	stream.indirect_vreg.gather [hbm4b:s2+s3], $0x80, v4, vm0, $0xb8;
	[tilespmem:$0xE100] =	vst v63  }
0xf2: {  	_ = 	snop  }
0xf3: {  	[tilespmem:s25], [sflag:$0x2] =	stream.indirect_vreg.gather [hbm4b:s2+s3], $0x80, v3, vm0, $0xb8;
	[tilespmem:$0xE100] =	vst v63  }
0xf4: {  	v3 =	vld [tilespmem:$0x50];
	_ =	sdelay $0x4  }
0xf5: {  	v55 =	vshll.u32 v3, $0x1  }
0xf6: {  	v3 =	vand.u32 $0x7, v3;
	v4 =	vand.u32 $0xFFFFFFF0, v55  }
0xf7: {  	v3 =	vor.u32 v3, v4  }
0xf8: {  	v4 =	vperm.xlane v3, v0;
	_ =	sdelay $0x1  }
0xf9: {  	v3 =	vperm.xlane v3, v2;
	v4 =	vadd.s32 v1, v4;
	_ =	sdelay $0x1  }
0xfa: {  	v3 =	vadd.s32 v1, v3;
	_ =	sdelay $0x2  }
0xfb: {  	[tilespmem:s26], [sflag:$0x2] =	stream.indirect_vreg.gather [hbm4b:s2+s3], $0x80, v4, vm0, $0xb8;
	[tilespmem:$0xE100] =	vst v63  }
0xfc: {  	_ = 	snop  }
0xfd: {  	[tilespmem:s28], [sflag:$0x2] =	stream.indirect_vreg.gather [hbm4b:s2+s3], $0x80, v3, vm0, $0xb8;
	[tilespmem:$0xE100] =	vst v63  }
0xfe: {  	v3 =	vld [tilespmem:$0x60];
	_ =	sdelay $0x4  }
0xff: {  	v56 =	vshll.u32 v3, $0x1  }
0x100: {  	v3 =	vand.u32 $0x7, v3;
	v4 =	vand.u32 $0xFFFFFFF0, v56  }
0x101: {  	v3 =	vor.u32 v3, v4  }
0x102: {  	v4 =	vperm.xlane v3, v0;
	_ =	sdelay $0x1  }
0x103: {  	v3 =	vperm.xlane v3, v2;
	v4 =	vadd.s32 v1, v4;
	_ =	sdelay $0x1  }
0x104: {  	v3 =	vadd.s32 v1, v3;
	_ =	sdelay $0x2  }
0x105: {  	[tilespmem:s29], [sflag:$0x2] =	stream.indirect_vreg.gather [hbm4b:s2+s3], $0x80, v4, vm0, $0xb8;
	[tilespmem:$0xE100] =	vst v63  }
0x106: {  	_ = 	snop  }
0x107: {  	[tilespmem:s30], [sflag:$0x2] =	stream.indirect_vreg.gather [hbm4b:s2+s3], $0x80, v3, vm0, $0xb8;
	[tilespmem:$0xE100] =	vst v63  }
0x108: {  	_ =	swait.ge [sflag:s21], $0x7000  }
0x109: {  	[sflag:s21] =	ssyncset.done $0x0  }
0x10a: {  	s12 =	rddreg [dreg:$0x9];
	[sflag:s21] =	ssyncadd.s32 $0xFFFF9000  }
0x10b: {  	[hbm4b:s12+s3] =	stream.linear.scatter [tilespmem:s23], [sflag:$0x3], $0x7000, $0x38;
	[tilespmem:$0xE100] =	vst v63  }
0x10c: {  	_ =	swait.ge [sflag:s22], $0x70  }
0x10d: {  	[sflag:s22] =	ssyncset.done $0x0  }
0x10e: {  	[sflag:s22] =	ssyncadd.s32 $0xFFFFFF90  }
0x10f: {  	_ =	swait.ge [sflag:s11], $0x7000  }
0x110: {  	[sflag:s11] =	ssyncset.done $0x0  }
0x111: {  	[sflag:s11] =	ssyncadd.s32 $0xFFFF9000  }
0x112: {  	v3 =	vld [tilespmem:$0x80];
	_ =	sdelay $0x4  }
0x113: {  	v57 =	vshll.u32 v3, $0x1  }
0x114: {  	v3 =	vand.u32 $0x7, v3;
	v4 =	vand.u32 $0xFFFFFFF0, v57  }
0x115: {  	v3 =	vor.u32 v3, v4  }
0x116: {  	v4 =	vperm.xlane v3, v0;
	_ =	sdelay $0x1  }
0x117: {  	v3 =	vperm.xlane v3, v2;
	v4 =	vadd.s32 v1, v4;
	_ =	sdelay $0x1  }
0x118: {  	v3 =	vadd.s32 v1, v3;
	_ =	sdelay $0x2  }
0x119: {  	[tilespmem:s0], [sflag:$0x2] =	stream.indirect_vreg.gather [hbm4b:s2+s3], $0x80, v4, vm0, $0xb8;
	[tilespmem:$0xE100] =	vst v63  }
0x11a: {  	_ = 	snop  }
0x11b: {  	[tilespmem:s31], [sflag:$0x2] =	stream.indirect_vreg.gather [hbm4b:s2+s3], $0x80, v3, vm0, $0xb8;
	[tilespmem:$0xE100] =	vst v63  }
0x11c: {  	v3 =	vld [tilespmem:$0x90];
	_ =	sdelay $0x4  }
0x11d: {  	v58 =	vshll.u32 v3, $0x1  }
0x11e: {  	v3 =	vand.u32 $0x7, v3;
	v4 =	vand.u32 $0xFFFFFFF0, v58  }
0x11f: {  	v3 =	vor.u32 v3, v4  }
0x120: {  	v4 =	vperm.xlane v3, v0;
	_ =	sdelay $0x1  }
0x121: {  	v3 =	vperm.xlane v3, v2;
	v4 =	vadd.s32 v1, v4;
	_ =	sdelay $0x1  }
0x122: {  	v3 =	vadd.s32 v1, v3;
	_ =	sdelay $0x2  }
0x123: {  	[tilespmem:s1], [sflag:$0x2] =	stream.indirect_vreg.gather [hbm4b:s2+s3], $0x80, v4, vm0, $0xb8;
	[tilespmem:$0xE100] =	vst v63  }
0x124: {  	s12 =	simm.s32 $0x8900  }
0x125: {  	[tilespmem:s12], [sflag:$0x2] =	stream.indirect_vreg.gather [hbm4b:s2+s3], $0x80, v3, vm0, $0xb8;
	[tilespmem:$0xE100] =	vst v63  }
0x126: {  	v3 =	vld [tilespmem:$0xA0];
	_ =	sdelay $0x4  }
0x127: {  	v59 =	vshll.u32 v3, $0x1  }
0x128: {  	v3 =	vand.u32 $0x7, v3;
	v4 =	vand.u32 $0xFFFFFFF0, v59  }
0x129: {  	v3 =	vor.u32 v3, v4  }
0x12a: {  	v4 =	vperm.xlane v3, v0;
	_ =	sdelay $0x1  }
0x12b: {  	v3 =	vperm.xlane v3, v2;
	v4 =	vadd.s32 v1, v4;
	_ =	sdelay $0x1  }
0x12c: {  	v3 =	vadd.s32 v1, v3;
	_ =	sdelay $0x2  }
0x12d: {  	[tilespmem:s6], [sflag:$0x2] =	stream.indirect_vreg.gather [hbm4b:s2+s3], $0x80, v4, vm0, $0xb8;
	[tilespmem:$0xE100] =	vst v63  }
0x12e: {  	_ = 	snop  }
0x12f: {  	[tilespmem:s8], [sflag:$0x2] =	stream.indirect_vreg.gather [hbm4b:s2+s3], $0x80, v3, vm0, $0xb8;
	[tilespmem:$0xE100] =	vst v63  }
0x130: {  	v3 =	vld [tilespmem:$0xB0];
	_ =	sdelay $0x4  }
0x131: {  	v60 =	vshll.u32 v3, $0x1  }
0x132: {  	v3 =	vand.u32 $0x7, v3;
	v4 =	vand.u32 $0xFFFFFFF0, v60  }
0x133: {  	v3 =	vor.u32 v3, v4  }
0x134: {  	v4 =	vperm.xlane v3, v0;
	_ =	sdelay $0x1  }
0x135: {  	v3 =	vperm.xlane v3, v2;
	v4 =	vadd.s32 v1, v4;
	_ =	sdelay $0x1  }
0x136: {  	v3 =	vadd.s32 v1, v3;
	_ =	sdelay $0x2  }
0x137: {  	[tilespmem:s9], [sflag:$0x2] =	stream.indirect_vreg.gather [hbm4b:s2+s3], $0x80, v4, vm0, $0xb8;
	[tilespmem:$0xE100] =	vst v63  }
0x138: {  	_ = 	snop  }
0x139: {  	[tilespmem:s10], [sflag:$0x2] =	stream.indirect_vreg.gather [hbm4b:s2+s3], $0x80, v3, vm0, $0xb8;
	[tilespmem:$0xE100] =	vst v63  }
0x13a: {  	v3 =	vld [tilespmem:$0xC0];
	_ =	sdelay $0x4  }
0x13b: {  	v61 =	vshll.u32 v3, $0x1  }
0x13c: {  	v3 =	vand.u32 $0x7, v3;
	v4 =	vand.u32 $0xFFFFFFF0, v61  }
0x13d: {  	v3 =	vor.u32 v3, v4  }
0x13e: {  	v4 =	vperm.xlane v3, v0;
	_ =	sdelay $0x1  }
0x13f: {  	v3 =	vperm.xlane v3, v2;
	v4 =	vadd.s32 v1, v4;
	_ =	sdelay $0x1  }
0x140: {  	v3 =	vadd.s32 v1, v3;
	_ =	sdelay $0x2  }
0x141: {  	[tilespmem:s5], [sflag:$0x2] =	stream.indirect_vreg.gather [hbm4b:s2+s3], $0x80, v4, vm0, $0xb8;
	[tilespmem:$0xE100] =	vst v63  }
0x142: {  	_ = 	snop  }
0x143: {  	[tilespmem:s7], [sflag:$0x2] =	stream.indirect_vreg.gather [hbm4b:s2+s3], $0x80, v3, vm0, $0xb8;
	[tilespmem:$0xE100] =	vst v63  }
0x144: {  	v3 =	vld [tilespmem:$0xD0];
	_ =	sdelay $0x4  }
0x145: {  	v62 =	vshll.u32 v3, $0x1  }
0x146: {  	v3 =	vand.u32 $0x7, v3;
	v4 =	vand.u32 $0xFFFFFFF0, v62  }
0x147: {  	v3 =	vor.u32 v3, v4  }
0x148: {  	v4 =	vperm.xlane v3, v0;
	_ =	sdelay $0x1  }
0x149: {  	v3 =	vperm.xlane v3, v2;
	v4 =	vadd.s32 v1, v4;
	_ =	sdelay $0x1  }
0x14a: {  	v3 =	vadd.s32 v1, v3;
	_ =	sdelay $0x1  }
0x14b: {  	s5 =	simm.s32 $0xC100  }
0x14c: {  	[tilespmem:s5], [sflag:$0x2] =	stream.indirect_vreg.gather [hbm4b:s2+s3], $0x80, v4, vm0, $0xb8;
	[tilespmem:$0xE100] =	vst v63  }
0x14d: {  	s12 =	simm.s32 $0xC900  }
0x14e: {  	[tilespmem:s12], [sflag:$0x2] =	stream.indirect_vreg.gather [hbm4b:s2+s3], $0x80, v3, vm0, $0xb8;
	[tilespmem:$0xE100] =	vst v63  }
0x14f: {  	v3 =	vld [tilespmem:$0xE0];
	_ =	sdelay $0x4  }
0x150: {  	v63 =	vshll.u32 v3, $0x1  }
0x151: {  	v3 =	vand.u32 $0x7, v3;
	v4 =	vand.u32 $0xFFFFFFF0, v63  }
0x152: {  	v3 =	vor.u32 v3, v4  }
0x153: {  	v4 =	vperm.xlane v3, v0;
	_ =	sdelay $0x1  }
0x154: {  	v3 =	vperm.xlane v3, v2;
	v4 =	vadd.s32 v1, v4;
	_ =	sdelay $0x1  }
0x155: {  	v3 =	vadd.s32 v1, v3;
	_ =	sdelay $0x1  }
0x156: {  	s5 =	simm.s32 $0xD100  }
0x157: {  	[tilespmem:s5], [sflag:$0x2] =	stream.indirect_vreg.gather [hbm4b:s2+s3], $0x80, v4, vm0, $0xb8;
	[tilespmem:$0xE100] =	vst v63  }
0x158: {  	s12 =	simm.s32 $0xD900  }
0x159: {  	[tilespmem:s12], [sflag:$0x2] =	stream.indirect_vreg.gather [hbm4b:s2+s3], $0x80, v3, vm0, $0xb8;
	[tilespmem:$0xE100] =	vst v63  }
0x15a: {  	_ =	swait.ge [sflag:s21], $0x7000  }
0x15b: {  	[sflag:s21] =	ssyncset.done $0x0  }
0x15c: {  	s5 =	rddreg [dreg:$0xa];
	[sflag:s21] =	ssyncadd.s32 $0xFFFF9000  }
0x15d: {  	[hbm4b:s5+s3] =	stream.linear.scatter [tilespmem:s0], [sflag:$0x3], $0x7000, $0x38;
	[tilespmem:$0xE100] =	vst v63  }
0x15e: {  	p0 =	sne.s32 s4, $0x1;
	_ =	swait.ge [sflag:s11], $0x7000  }
.Ltmp0:
0x15f: {  	[sflag:s11] =	ssyncset.done $0x0;
	(pc) =	sbr.rel @p0 .LBB2_1-.Ltmp0, $4  }
0x160: {  	[sflag:s11] =	ssyncadd.s32 $0xFFFF9000  }
0x161: {  	_ =	swait.ge [sflag:s11], $0x7000  }
0x162: {  	[sflag:s11] =	ssyncset.done $0x0  }
0x163: {  	s4 =	sadd.s32 $0xFFFFFFFF, s4;
	[sflag:s11] =	ssyncadd.s32 $0xFFFF9000  }
0x164: {  	_ =	sfence.sel $0x180000  }
0x165: {  	[bflag:$0x0] =	sbarrier.arrive $0xFFFF  }
0x166: {  	_ =	strace $0x9000004A  }
0x167: {  	s0 =	stileid.u32;
	[bflag:$0x2] =	sbarrier.arrive $0xFFFF  }
0x168: {  	p0 =	sne.s32 s0, $0x0;
	s0 =	rddreg [dreg:$0x2]  }
0x169: {  	s0 =	sadd.s32 @!p0 $0x100000, s0  }
0x16a: {  	[sflag:s0] =	ssyncadd.tile.s32 @!p0 $0x1;
	_ =	shalt  }
.Lfunc_end2:
_tile_overlayer_lowered:
.L_overlay_start_2:
0x16b: {  	(tag) =	ssettag $0x2  }
0x16c: {  	s0 =	rddreg [dreg:$0x0];
	s2 =	stileid.u32  }
0x16d: {  	s1 =	rddreg [dreg:$0x1];
	p0 =	sne.s32 s2, $0x0  }
0x16e: {  	s3 =	rddreg [dreg:$0x2];
	[bflag:$0x3] =	sbarrier.arrive $0xFFFF;
	s2 =	simm.s32 @!p0 $0x1C04  }
0x16f: {  	[timem:s3], [sflag:s2] =	dma.local @!p0 [hbm:s0], s1  }
0x170: {  	s0 =	simm.s32 @!p0 $0x4  }
0x171: {  	_ =	swait.ge @!p0 [sflag:s0], s1  }
0x172: {  	s1 =	ssub.s32 @!p0 $0x0, s1;
	[sflag:s0] =	ssyncset.done @!p0 $0x0  }
0x173: {  	[sflag:s0] =	ssyncadd.s32 @!p0 s1  }
0x174: {  	[bflag:$0x3] =	sbarrier.arrive $0xFFFF  }
0x175: {  	_ =	shalt  }

</sc_bundles>
